<compile_context>
chip_gen: v7x
topology: tpu7x:2x2x1
jax: 0.10.2.dev20260603
libtpu: 0.0.44.dev20260713+nightly
codegen_flags: <defaults>
</compile_context>

<pallas_src>
import functools

import jax
import jax.numpy as jnp
from jax import lax
from jax.experimental import pallas as pl
from jax.experimental.pallas import tpu as pltpu
from jax.experimental.pallas import tpu_sc as plsc

_NC = 2
_NS = 16
_NW = _NC * _NS
_CHUNK = 128
_NBUF = 6
_DIST = 4


def _sc_body(n_chunks, table_hbm, idx_hbm, out_hbm, idx_v, rows_v, *sems):
    gsems = sems[:_NBUF]
    wsems = sems[_NBUF:]
    bpw = n_chunks * _CHUNK
    wid = lax.axis_index("s") * _NC + lax.axis_index("c")
    base = wid * bpw
    pltpu.sync_copy(idx_hbm.at[pl.ds(base, bpw)], idx_v)

    def start_gather(c, b):
        pltpu.async_copy(
            table_hbm.at[idx_v.at[pl.ds(c * _CHUNK, _CHUNK)]], rows_v.at[b],
            gsems[b])

    def wait_gather(b):
        pltpu.make_async_copy(
            table_hbm.at[idx_v.at[pl.ds(0, _CHUNK)]], rows_v.at[b],
            gsems[b]).wait()

    def start_write(c, b):
        pltpu.async_copy(
            rows_v.at[b], out_hbm.at[pl.ds(base + c * _CHUNK, _CHUNK)],
            wsems[b])

    def wait_write(b):
        pltpu.make_async_copy(
            rows_v.at[b], out_hbm.at[pl.ds(base, _CHUNK)], wsems[b]).wait()

    def turn(c, rot, wwait, prefetch):
        if prefetch:
            b2 = (rot + _DIST) % _NBUF
            if wwait:
                wait_write(b2)
            start_gather(c + _DIST, b2)
        b = rot % _NBUF
        wait_gather(b)
        start_write(c, b)

    for c in range(_DIST):
        start_gather(c, c)

    head = _NBUF - _DIST
    for c in range(head):
        turn(c, c, wwait=False, prefetch=True)

    n_tail = _DIST
    steady = n_chunks - head - n_tail
    n_groups = steady // _NBUF
    rem = steady - n_groups * _NBUF

    def group(g, carry):
        c0 = head + g * _NBUF
        for j in range(_NBUF):
            turn(c0 + j, head + j, wwait=True, prefetch=True)
        return carry

    lax.fori_loop(0, n_groups, group, 0)

    for j in range(rem):
        c = head + n_groups * _NBUF + j
        turn(c, head + j, wwait=True, prefetch=True)

    for c in range(n_chunks - n_tail, n_chunks):
        turn(c, c, wwait=False, prefetch=False)

    for c in range(n_chunks - _NBUF, n_chunks):
        wait_write(c % _NBUF)


@jax.jit
def _gather(table, idx):
    n, d = idx.shape[0], table.shape[1]
    assert n % (_NW * _CHUNK) == 0
    bpw = n // _NW
    n_chunks = bpw // _CHUNK
    assert n_chunks >= 2 * _NBUF
    mesh = plsc.VectorSubcoreMesh(core_axis_name="c", subcore_axis_name="s")
    f = pl.kernel(
        functools.partial(_sc_body, n_chunks),
        out_type=jax.ShapeDtypeStruct((n, d), jnp.float32),
        mesh=mesh,
        scratch_types=(
            [pltpu.VMEM((bpw,), jnp.int32),
             pltpu.VMEM((_NBUF, _CHUNK, d), jnp.float32)]
            + [pltpu.SemaphoreType.DMA] * (2 * _NBUF)
        ),
    )
    return f(table, idx)


def kernel(token_ids, embedding):
    b, h = token_ids.shape
    d = embedding.shape[1]
    idx = token_ids.T.reshape(-1).astype(jnp.int32)
    out = _gather(embedding, idx)
    return out.reshape(h, b, d).transpose(1, 0, 2)

# --- scband reference (transcript-rebuilt; emitter-appended) ---
"""Pipeline reference for scband-embedding-19499151524371 (READ-ONLY COPY).

The authoritative reference and input builder live on the scoring server;
editing this copy changes nothing except your own understanding.
"""

import jax, jax.numpy as jnp
import numpy as np

VOCAB = 100000
D_MODEL = 128
BATCH = 4096
HIST = 50

def setup_inputs(seed: int = 0) -> dict:
    key = jax.random.key(seed)
    k_idx, k_emb = jax.random.split(key)
    token_ids = jax.random.randint(k_idx, (BATCH, HIST), 0, VOCAB, dtype=jnp.int64)
    # trunc_normal_(mean=0, std=1, a=-3, b=3) approximated with truncated normal
    embedding = jax.random.truncated_normal(k_emb, -3.0, 3.0, (VOCAB, D_MODEL), dtype=jnp.float32)
    return {"token_ids": token_ids, "embedding": embedding}

def reference(token_ids, embedding):
    # Faithful translation of: return self.embedding[token_ids]
    return jnp.take(embedding, token_ids, axis=0)

if __name__ == "__main__":
    import jax
    _d = setup_inputs()
    print(jax.jit(kernel)(*tuple(_d.values())))

</pallas_src>

<mosaic_0001>
#map = affine_map<(d0, d1) -> (0, 0)>
#map1 = affine_map<(d0, d1) -> (0)>
module attributes {stable_mosaic.version = 14 : i64} {
  func.func @_sc_body(%arg0: i32, %arg1: i32, %arg2: memref<100000x128xf32, #tpu.memory_space<hbm>>, %arg3: memref<204800xi32, #tpu.memory_space<hbm>>, %arg4: memref<204800x128xf32, #tpu.memory_space<hbm>>, %arg5: memref<6400xi32, #tpu.memory_space<vmem>>, %arg6: memref<6x128x128xf32, #tpu.memory_space<vmem>>, %arg7: memref<!tpu.dma_semaphore, #tpu.memory_space<semaphore_mem>>, %arg8: memref<!tpu.dma_semaphore, #tpu.memory_space<semaphore_mem>>, %arg9: memref<!tpu.dma_semaphore, #tpu.memory_space<semaphore_mem>>, %arg10: memref<!tpu.dma_semaphore, #tpu.memory_space<semaphore_mem>>, %arg11: memref<!tpu.dma_semaphore, #tpu.memory_space<semaphore_mem>>, %arg12: memref<!tpu.dma_semaphore, #tpu.memory_space<semaphore_mem>>, %arg13: memref<!tpu.dma_semaphore, #tpu.memory_space<semaphore_mem>>, %arg14: memref<!tpu.dma_semaphore, #tpu.memory_space<semaphore_mem>>, %arg15: memref<!tpu.dma_semaphore, #tpu.memory_space<semaphore_mem>>, %arg16: memref<!tpu.dma_semaphore, #tpu.memory_space<semaphore_mem>>, %arg17: memref<!tpu.dma_semaphore, #tpu.memory_space<semaphore_mem>>, %arg18: memref<!tpu.dma_semaphore, #tpu.memory_space<semaphore_mem>>) attributes {dimension_semantics = [#tpu.dimension_semantics<core_parallel>, #tpu.dimension_semantics<subcore_parallel>], iteration_bounds = array<i64: 2, 16>, scalar_prefetch = 0 : i64, scratch_operands = 14 : i64, tpu.core_type = #tpu.core_type<sc_vector_subcore>, window_params = [{transform_indices = #map}, {transform_indices = #map1}, {transform_indices = #map}]} {
    %mul3A = arith.constant 2 : i32
    %mul3A_0 = arith.muli %arg1, %mul3A : i32
    %add3A = arith.addi %mul3A_0, %arg0 : i32
    %mul3A_1 = arith.constant 6400 : i32
    %mul3A_2 = arith.muli %add3A, %mul3A_1 : i32
    "tpu.region"() ({
      %run_scoped3A = tpu.sem_alloc : memref<!tpu.dma_semaphore, #tpu.memory_space<semaphore_mem>>
      %dma_start3A_390 = tpu.memref_slice %arg3[%mul3A_2] : memref<204800xi32, #tpu.memory_space<hbm>> -> memref<6400xi32, #tpu.memory_space<hbm>>
      %dma_start3A_391 = tpu.memref_slice %arg3[%mul3A_2] : memref<204800xi32, #tpu.memory_space<hbm>> -> memref<6400xi32, #tpu.memory_space<hbm>>
      tpu.enqueue_dma source(%dma_start3A_391 : memref<6400xi32, #tpu.memory_space<hbm>>) target(%arg5 : memref<6400xi32, #tpu.memory_space<vmem>>) target_semaphore(%run_scoped3A : memref<!tpu.dma_semaphore, #tpu.memory_space<semaphore_mem>>)
      %dma_wait3A_392 = tpu.memref_slice %arg3[%mul3A_2] : memref<204800xi32, #tpu.memory_space<hbm>> -> memref<6400xi32, #tpu.memory_space<hbm>>
      %dma_wait3A_393 = tpu.memref_slice %arg3[%mul3A_2] : memref<204800xi32, #tpu.memory_space<hbm>> -> memref<6400xi32, #tpu.memory_space<hbm>>
      tpu.wait_dma2 semaphore(%run_scoped3A : memref<!tpu.dma_semaphore, #tpu.memory_space<semaphore_mem>>) src(%dma_wait3A_393 : memref<6400xi32, #tpu.memory_space<hbm>>) dst(%arg5 : memref<6400xi32, #tpu.memory_space<vmem>>)
      tpu.yield
    }) : () -> ()
    %dma_start3A = arith.constant 0 : i32
    %dma_start3A_3 = arith.constant 0 : i32
    %dma_start3A_4 = arith.constant 0 : i32
    %dma_start3A_5 = tpu.memref_slice %arg6[%dma_start3A, %dma_start3A_3, %dma_start3A_4] : memref<6x128x128xf32, #tpu.memory_space<vmem>> -> memref<1x128x128xf32, #tpu.memory_space<vmem>>
    %dma_start3A_6 = tpu.memref_squeeze %dma_start3A_5 : memref<1x128x128xf32, #tpu.memory_space<vmem>> -> memref<128x128xf32, #tpu.memory_space<vmem>>
    %dma_start3A_7 = arith.constant 0 : i32
    %dma_start3A_8 = tpu.memref_slice %arg5[%dma_start3A_7] : memref<6400xi32, #tpu.memory_space<vmem>> -> memref<128xi32, #tpu.memory_space<vmem>>
    %dma_start3A_9 = arith.constant 0 : i32
    %dma_start3A_10 = arith.constant 0 : i32
    %dma_start3A_11 = tpu.memref_slice %arg2[%dma_start3A_9, %dma_start3A_10] : memref<100000x128xf32, #tpu.memory_space<hbm>> -> memref<100000x128xf32, #tpu.memory_space<hbm>>
    tpu.enqueue_indirect_dma source(%dma_start3A_11 : memref<100000x128xf32, #tpu.memory_space<hbm>>) target(%dma_start3A_6 : memref<128x128xf32, #tpu.memory_space<vmem>>) offsets(%dma_start3A_8 : memref<128xi32, #tpu.memory_space<vmem>>) semaphore(%arg7 : memref<!tpu.dma_semaphore, #tpu.memory_space<semaphore_mem>>)
    %dma_start3A_12 = arith.constant 1 : i32
    %dma_start3A_13 = arith.constant 0 : i32
    %dma_start3A_14 = arith.constant 0 : i32
    %dma_start3A_15 = tpu.memref_slice %arg6[%dma_start3A_12, %dma_start3A_13, %dma_start3A_14] : memref<6x128x128xf32, #tpu.memory_space<vmem>> -> memref<1x128x128xf32, #tpu.memory_space<vmem>>
    %dma_start3A_16 = tpu.memref_squeeze %dma_start3A_15 : memref<1x128x128xf32, #tpu.memory_space<vmem>> -> memref<128x128xf32, #tpu.memory_space<vmem>>
    %dma_start3A_17 = arith.constant 128 : i32
    %dma_start3A_18 = tpu.memref_slice %arg5[%dma_start3A_17] : memref<6400xi32, #tpu.memory_space<vmem>> -> memref<128xi32, #tpu.memory_space<vmem>>
    %dma_start3A_19 = arith.constant 0 : i32
    %dma_start3A_20 = arith.constant 0 : i32
    %dma_start3A_21 = tpu.memref_slice %arg2[%dma_start3A_19, %dma_start3A_20] : memref<100000x128xf32, #tpu.memory_space<hbm>> -> memref<100000x128xf32, #tpu.memory_space<hbm>>
    tpu.enqueue_indirect_dma source(%dma_start3A_21 : memref<100000x128xf32, #tpu.memory_space<hbm>>) target(%dma_start3A_16 : memref<128x128xf32, #tpu.memory_space<vmem>>) offsets(%dma_start3A_18 : memref<128xi32, #tpu.memory_space<vmem>>) semaphore(%arg8 : memref<!tpu.dma_semaphore, #tpu.memory_space<semaphore_mem>>)
    %dma_start3A_22 = arith.constant 2 : i32
    %dma_start3A_23 = arith.constant 0 : i32
    %dma_start3A_24 = arith.constant 0 : i32
    %dma_start3A_25 = tpu.memref_slice %arg6[%dma_start3A_22, %dma_start3A_23, %dma_start3A_24] : memref<6x128x128xf32, #tpu.memory_space<vmem>> -> memref<1x128x128xf32, #tpu.memory_space<vmem>>
    %dma_start3A_26 = tpu.memref_squeeze %dma_start3A_25 : memref<1x128x128xf32, #tpu.memory_space<vmem>> -> memref<128x128xf32, #tpu.memory_space<vmem>>
    %dma_start3A_27 = arith.constant 256 : i32
    %dma_start3A_28 = tpu.memref_slice %arg5[%dma_start3A_27] : memref<6400xi32, #tpu.memory_space<vmem>> -> memref<128xi32, #tpu.memory_space<vmem>>
    %dma_start3A_29 = arith.constant 0 : i32
    %dma_start3A_30 = arith.constant 0 : i32
    %dma_start3A_31 = tpu.memref_slice %arg2[%dma_start3A_29, %dma_start3A_30] : memref<100000x128xf32, #tpu.memory_space<hbm>> -> memref<100000x128xf32, #tpu.memory_space<hbm>>
    tpu.enqueue_indirect_dma source(%dma_start3A_31 : memref<100000x128xf32, #tpu.memory_space<hbm>>) target(%dma_start3A_26 : memref<128x128xf32, #tpu.memory_space<vmem>>) offsets(%dma_start3A_28 : memref<128xi32, #tpu.memory_space<vmem>>) semaphore(%arg9 : memref<!tpu.dma_semaphore, #tpu.memory_space<semaphore_mem>>)
    %dma_start3A_32 = arith.constant 3 : i32
    %dma_start3A_33 = arith.constant 0 : i32
    %dma_start3A_34 = arith.constant 0 : i32
    %dma_start3A_35 = tpu.memref_slice %arg6[%dma_start3A_32, %dma_start3A_33, %dma_start3A_34] : memref<6x128x128xf32, #tpu.memory_space<vmem>> -> memref<1x128x128xf32, #tpu.memory_space<vmem>>
    %dma_start3A_36 = tpu.memref_squeeze %dma_start3A_35 : memref<1x128x128xf32, #tpu.memory_space<vmem>> -> memref<128x128xf32, #tpu.memory_space<vmem>>
    %dma_start3A_37 = arith.constant 384 : i32
    %dma_start3A_38 = tpu.memref_slice %arg5[%dma_start3A_37] : memref<6400xi32, #tpu.memory_space<vmem>> -> memref<128xi32, #tpu.memory_space<vmem>>
    %dma_start3A_39 = arith.constant 0 : i32
    %dma_start3A_40 = arith.constant 0 : i32
    %dma_start3A_41 = tpu.memref_slice %arg2[%dma_start3A_39, %dma_start3A_40] : memref<100000x128xf32, #tpu.memory_space<hbm>> -> memref<100000x128xf32, #tpu.memory_space<hbm>>
    tpu.enqueue_indirect_dma source(%dma_start3A_41 : memref<100000x128xf32, #tpu.memory_space<hbm>>) target(%dma_start3A_36 : memref<128x128xf32, #tpu.memory_space<vmem>>) offsets(%dma_start3A_38 : memref<128xi32, #tpu.memory_space<vmem>>) semaphore(%arg10 : memref<!tpu.dma_semaphore, #tpu.memory_space<semaphore_mem>>)
    %dma_start3A_42 = arith.constant 4 : i32
    %dma_start3A_43 = arith.constant 0 : i32
    %dma_start3A_44 = arith.constant 0 : i32
    %dma_start3A_45 = tpu.memref_slice %arg6[%dma_start3A_42, %dma_start3A_43, %dma_start3A_44] : memref<6x128x128xf32, #tpu.memory_space<vmem>> -> memref<1x128x128xf32, #tpu.memory_space<vmem>>
    %dma_start3A_46 = tpu.memref_squeeze %dma_start3A_45 : memref<1x128x128xf32, #tpu.memory_space<vmem>> -> memref<128x128xf32, #tpu.memory_space<vmem>>
    %dma_start3A_47 = arith.constant 512 : i32
    %dma_start3A_48 = tpu.memref_slice %arg5[%dma_start3A_47] : memref<6400xi32, #tpu.memory_space<vmem>> -> memref<128xi32, #tpu.memory_space<vmem>>
    %dma_start3A_49 = arith.constant 0 : i32
    %dma_start3A_50 = arith.constant 0 : i32
    %dma_start3A_51 = tpu.memref_slice %arg2[%dma_start3A_49, %dma_start3A_50] : memref<100000x128xf32, #tpu.memory_space<hbm>> -> memref<100000x128xf32, #tpu.memory_space<hbm>>
    tpu.enqueue_indirect_dma source(%dma_start3A_51 : memref<100000x128xf32, #tpu.memory_space<hbm>>) target(%dma_start3A_46 : memref<128x128xf32, #tpu.memory_space<vmem>>) offsets(%dma_start3A_48 : memref<128xi32, #tpu.memory_space<vmem>>) semaphore(%arg11 : memref<!tpu.dma_semaphore, #tpu.memory_space<semaphore_mem>>)
    %dma_wait3A = arith.constant 0 : i32
    %dma_wait3A_52 = arith.constant 0 : i32
    %dma_wait3A_53 = arith.constant 0 : i32
    %dma_wait3A_54 = tpu.memref_slice %arg6[%dma_wait3A, %dma_wait3A_52, %dma_wait3A_53] : memref<6x128x128xf32, #tpu.memory_space<vmem>> -> memref<1x128x128xf32, #tpu.memory_space<vmem>>
    %dma_wait3A_55 = tpu.memref_squeeze %dma_wait3A_54 : memref<1x128x128xf32, #tpu.memory_space<vmem>> -> memref<128x128xf32, #tpu.memory_space<vmem>>
    %dma_wait3A_56 = arith.constant 0 : i32
    %dma_wait3A_57 = tpu.memref_slice %arg5[%dma_wait3A_56] : memref<6400xi32, #tpu.memory_space<vmem>> -> memref<128xi32, #tpu.memory_space<vmem>>
    %dma_wait3A_58 = arith.constant 0 : i32
    %dma_wait3A_59 = arith.constant 0 : i32
    %dma_wait3A_60 = tpu.memref_slice %arg2[%dma_wait3A_58, %dma_wait3A_59] : memref<100000x128xf32, #tpu.memory_space<hbm>> -> memref<100000x128xf32, #tpu.memory_space<hbm>>
    tpu.wait_indirect_dma semaphore(%arg7 : memref<!tpu.dma_semaphore, #tpu.memory_space<semaphore_mem>>) src(%dma_wait3A_60 : memref<100000x128xf32, #tpu.memory_space<hbm>>) dst(%dma_wait3A_55 : memref<128x128xf32, #tpu.memory_space<vmem>>)
    %add3A_61 = arith.constant 0 : i32
    %add3A_62 = arith.addi %mul3A_2, %add3A_61 : i32
    %dma_start3A_63 = arith.constant 0 : i32
    %dma_start3A_64 = arith.constant 0 : i32
    %dma_start3A_65 = arith.constant 0 : i32
    %dma_start3A_66 = tpu.memref_slice %arg6[%dma_start3A_63, %dma_start3A_64, %dma_start3A_65] : memref<6x128x128xf32, #tpu.memory_space<vmem>> -> memref<1x128x128xf32, #tpu.memory_space<vmem>>
    %dma_start3A_67 = tpu.memref_squeeze %dma_start3A_66 : memref<1x128x128xf32, #tpu.memory_space<vmem>> -> memref<128x128xf32, #tpu.memory_space<vmem>>
    %dma_start3A_68 = arith.constant 0 : i32
    %dma_start3A_69 = tpu.memref_slice %arg4[%add3A_62, %dma_start3A_68] : memref<204800x128xf32, #tpu.memory_space<hbm>> -> memref<128x128xf32, #tpu.memory_space<hbm>>
    %dma_start3A_70 = arith.constant 0 : i32
    %dma_start3A_71 = tpu.memref_slice %arg4[%add3A_62, %dma_start3A_70] : memref<204800x128xf32, #tpu.memory_space<hbm>> -> memref<128x128xf32, #tpu.memory_space<hbm>>
    %dma_start3A_72 = arith.constant 0 : i32
    %dma_start3A_73 = arith.constant 0 : i32
    %dma_start3A_74 = tpu.memref_slice %arg6[%dma_start3A_63, %dma_start3A_72, %dma_start3A_73] : memref<6x128x128xf32, #tpu.memory_space<vmem>> -> memref<1x128x128xf32, #tpu.memory_space<vmem>>
    %dma_start3A_75 = tpu.memref_squeeze %dma_start3A_74 : memref<1x128x128xf32, #tpu.memory_space<vmem>> -> memref<128x128xf32, #tpu.memory_space<vmem>>
    tpu.enqueue_dma source(%dma_start3A_75 : memref<128x128xf32, #tpu.memory_space<vmem>>) target(%dma_start3A_71 : memref<128x128xf32, #tpu.memory_space<hbm>>) target_semaphore(%arg13 : memref<!tpu.dma_semaphore, #tpu.memory_space<semaphore_mem>>)
    %dma_start3A_76 = arith.constant 5 : i32
    %dma_start3A_77 = arith.constant 0 : i32
    %dma_start3A_78 = arith.constant 0 : i32
    %dma_start3A_79 = tpu.memref_slice %arg6[%dma_start3A_76, %dma_start3A_77, %dma_start3A_78] : memref<6x128x128xf32, #tpu.memory_space<vmem>> -> memref<1x128x128xf32, #tpu.memory_space<vmem>>
    %dma_start3A_80 = tpu.memref_squeeze %dma_start3A_79 : memref<1x128x128xf32, #tpu.memory_space<vmem>> -> memref<128x128xf32, #tpu.memory_space<vmem>>
    %dma_start3A_81 = arith.constant 640 : i32
    %dma_start3A_82 = tpu.memref_slice %arg5[%dma_start3A_81] : memref<6400xi32, #tpu.memory_space<vmem>> -> memref<128xi32, #tpu.memory_space<vmem>>
    %dma_start3A_83 = arith.constant 0 : i32
    %dma_start3A_84 = arith.constant 0 : i32
    %dma_start3A_85 = tpu.memref_slice %arg2[%dma_start3A_83, %dma_start3A_84] : memref<100000x128xf32, #tpu.memory_space<hbm>> -> memref<100000x128xf32, #tpu.memory_space<hbm>>
    tpu.enqueue_indirect_dma source(%dma_start3A_85 : memref<100000x128xf32, #tpu.memory_space<hbm>>) target(%dma_start3A_80 : memref<128x128xf32, #tpu.memory_space<vmem>>) offsets(%dma_start3A_82 : memref<128xi32, #tpu.memory_space<vmem>>) semaphore(%arg12 : memref<!tpu.dma_semaphore, #tpu.memory_space<semaphore_mem>>)
    %dma_wait3A_86 = arith.constant 1 : i32
    %dma_wait3A_87 = arith.constant 0 : i32
    %dma_wait3A_88 = arith.constant 0 : i32
    %dma_wait3A_89 = tpu.memref_slice %arg6[%dma_wait3A_86, %dma_wait3A_87, %dma_wait3A_88] : memref<6x128x128xf32, #tpu.memory_space<vmem>> -> memref<1x128x128xf32, #tpu.memory_space<vmem>>
    %dma_wait3A_90 = tpu.memref_squeeze %dma_wait3A_89 : memref<1x128x128xf32, #tpu.memory_space<vmem>> -> memref<128x128xf32, #tpu.memory_space<vmem>>
    %dma_wait3A_91 = arith.constant 0 : i32
    %dma_wait3A_92 = tpu.memref_slice %arg5[%dma_wait3A_91] : memref<6400xi32, #tpu.memory_space<vmem>> -> memref<128xi32, #tpu.memory_space<vmem>>
    %dma_wait3A_93 = arith.constant 0 : i32
    %dma_wait3A_94 = arith.constant 0 : i32
    %dma_wait3A_95 = tpu.memref_slice %arg2[%dma_wait3A_93, %dma_wait3A_94] : memref<100000x128xf32, #tpu.memory_space<hbm>> -> memref<100000x128xf32, #tpu.memory_space<hbm>>
    tpu.wait_indirect_dma semaphore(%arg8 : memref<!tpu.dma_semaphore, #tpu.memory_space<semaphore_mem>>) src(%dma_wait3A_95 : memref<100000x128xf32, #tpu.memory_space<hbm>>) dst(%dma_wait3A_90 : memref<128x128xf32, #tpu.memory_space<vmem>>)
    %add3A_96 = arith.constant 128 : i32
    %add3A_97 = arith.addi %mul3A_2, %add3A_96 : i32
    %dma_start3A_98 = arith.constant 1 : i32
    %dma_start3A_99 = arith.constant 0 : i32
    %dma_start3A_100 = arith.constant 0 : i32
    %dma_start3A_101 = tpu.memref_slice %arg6[%dma_start3A_98, %dma_start3A_99, %dma_start3A_100] : memref<6x128x128xf32, #tpu.memory_space<vmem>> -> memref<1x128x128xf32, #tpu.memory_space<vmem>>
    %dma_start3A_102 = tpu.memref_squeeze %dma_start3A_101 : memref<1x128x128xf32, #tpu.memory_space<vmem>> -> memref<128x128xf32, #tpu.memory_space<vmem>>
    %dma_start3A_103 = arith.constant 0 : i32
    %dma_start3A_104 = tpu.memref_slice %arg4[%add3A_97, %dma_start3A_103] : memref<204800x128xf32, #tpu.memory_space<hbm>> -> memref<128x128xf32, #tpu.memory_space<hbm>>
    %dma_start3A_105 = arith.constant 0 : i32
    %dma_start3A_106 = tpu.memref_slice %arg4[%add3A_97, %dma_start3A_105] : memref<204800x128xf32, #tpu.memory_space<hbm>> -> memref<128x128xf32, #tpu.memory_space<hbm>>
    %dma_start3A_107 = arith.constant 0 : i32
    %dma_start3A_108 = arith.constant 0 : i32
    %dma_start3A_109 = tpu.memref_slice %arg6[%dma_start3A_98, %dma_start3A_107, %dma_start3A_108] : memref<6x128x128xf32, #tpu.memory_space<vmem>> -> memref<1x128x128xf32, #tpu.memory_space<vmem>>
    %dma_start3A_110 = tpu.memref_squeeze %dma_start3A_109 : memref<1x128x128xf32, #tpu.memory_space<vmem>> -> memref<128x128xf32, #tpu.memory_space<vmem>>
    tpu.enqueue_dma source(%dma_start3A_110 : memref<128x128xf32, #tpu.memory_space<vmem>>) target(%dma_start3A_106 : memref<128x128xf32, #tpu.memory_space<hbm>>) target_semaphore(%arg14 : memref<!tpu.dma_semaphore, #tpu.memory_space<semaphore_mem>>)
    %scan3A = arith.constant 0 : i32
    %scan3A_111 = arith.constant 0 : i32
    %scan3A_112 = arith.constant 7 : i32
    %scan3A_113 = arith.addi %scan3A_111, %scan3A_112 : i32
    %scan3A_114 = arith.constant 1 : i32
    scf.for %scan3A_390 = %scan3A_111 to %scan3A_113 step %scan3A_114  : i32 {
      %mul3A_391 = arith.constant 6 : i32
      %mul3A_392 = arith.muli %scan3A_390, %mul3A_391 : i32
      %add3A_393 = arith.constant 2 : i32
      %add3A_394 = arith.addi %add3A_393, %mul3A_392 : i32
      %add3A_395 = arith.constant 0 : i32
      %add3A_396 = arith.addi %add3A_394, %add3A_395 : i32
      %dma_wait3A_397 = arith.constant 0 : i32
      %dma_wait3A_398 = arith.constant 0 : i32
      %dma_wait3A_399 = arith.constant 0 : i32
      %dma_wait3A_400 = tpu.memref_slice %arg6[%dma_wait3A_397, %dma_wait3A_398, %dma_wait3A_399] : memref<6x128x128xf32, #tpu.memory_space<vmem>> -> memref<1x128x128xf32, #tpu.memory_space<vmem>>
      %dma_wait3A_401 = tpu.memref_squeeze %dma_wait3A_400 : memref<1x128x128xf32, #tpu.memory_space<vmem>> -> memref<128x128xf32, #tpu.memory_space<vmem>>
      %dma_wait3A_402 = arith.constant 0 : i32
      %dma_wait3A_403 = tpu.memref_slice %arg4[%mul3A_2, %dma_wait3A_402] : memref<204800x128xf32, #tpu.memory_space<hbm>> -> memref<128x128xf32, #tpu.memory_space<hbm>>
      %dma_wait3A_404 = arith.constant 0 : i32
      %dma_wait3A_405 = tpu.memref_slice %arg4[%mul3A_2, %dma_wait3A_404] : memref<204800x128xf32, #tpu.memory_space<hbm>> -> memref<128x128xf32, #tpu.memory_space<hbm>>
      %dma_wait3A_406 = arith.constant 0 : i32
      %dma_wait3A_407 = arith.constant 0 : i32
      %dma_wait3A_408 = tpu.memref_slice %arg6[%dma_wait3A_397, %dma_wait3A_406, %dma_wait3A_407] : memref<6x128x128xf32, #tpu.memory_space<vmem>> -> memref<1x128x128xf32, #tpu.memory_space<vmem>>
      %dma_wait3A_409 = tpu.memref_squeeze %dma_wait3A_408 : memref<1x128x128xf32, #tpu.memory_space<vmem>> -> memref<128x128xf32, #tpu.memory_space<vmem>>
      tpu.wait_dma2 semaphore(%arg13 : memref<!tpu.dma_semaphore, #tpu.memory_space<semaphore_mem>>) src(%dma_wait3A_409 : memref<128x128xf32, #tpu.memory_space<vmem>>) dst(%dma_wait3A_405 : memref<128x128xf32, #tpu.memory_space<hbm>>)
      %add3A_410 = arith.constant 4 : i32
      %add3A_411 = arith.addi %add3A_396, %add3A_410 : i32
      %mul3A_412 = arith.constant 128 : i32
      %mul3A_413 = arith.muli %add3A_411, %mul3A_412 : i32
      %dma_start3A_414 = arith.constant 0 : i32
      %dma_start3A_415 = arith.constant 0 : i32
      %dma_start3A_416 = arith.constant 0 : i32
      %dma_start3A_417 = tpu.memref_slice %arg6[%dma_start3A_414, %dma_start3A_415, %dma_start3A_416] : memref<6x128x128xf32, #tpu.memory_space<vmem>> -> memref<1x128x128xf32, #tpu.memory_space<vmem>>
      %dma_start3A_418 = tpu.memref_squeeze %dma_start3A_417 : memref<1x128x128xf32, #tpu.memory_space<vmem>> -> memref<128x128xf32, #tpu.memory_space<vmem>>
      %dma_start3A_419 = tpu.memref_slice %arg5[%mul3A_413] : memref<6400xi32, #tpu.memory_space<vmem>> -> memref<128xi32, #tpu.memory_space<vmem>>
      %dma_start3A_420 = arith.constant 0 : i32
      %dma_start3A_421 = arith.constant 0 : i32
      %dma_start3A_422 = tpu.memref_slice %arg2[%dma_start3A_420, %dma_start3A_421] : memref<100000x128xf32, #tpu.memory_space<hbm>> -> memref<100000x128xf32, #tpu.memory_space<hbm>>
      tpu.enqueue_indirect_dma source(%dma_start3A_422 : memref<100000x128xf32, #tpu.memory_space<hbm>>) target(%dma_start3A_418 : memref<128x128xf32, #tpu.memory_space<vmem>>) offsets(%dma_start3A_419 : memref<128xi32, #tpu.memory_space<vmem>>) semaphore(%arg7 : memref<!tpu.dma_semaphore, #tpu.memory_space<semaphore_mem>>)
      %dma_wait3A_423 = arith.constant 2 : i32
      %dma_wait3A_424 = arith.constant 0 : i32
      %dma_wait3A_425 = arith.constant 0 : i32
      %dma_wait3A_426 = tpu.memref_slice %arg6[%dma_wait3A_423, %dma_wait3A_424, %dma_wait3A_425] : memref<6x128x128xf32, #tpu.memory_space<vmem>> -> memref<1x128x128xf32, #tpu.memory_space<vmem>>
      %dma_wait3A_427 = tpu.memref_squeeze %dma_wait3A_426 : memref<1x128x128xf32, #tpu.memory_space<vmem>> -> memref<128x128xf32, #tpu.memory_space<vmem>>
      %dma_wait3A_428 = arith.constant 0 : i32
      %dma_wait3A_429 = tpu.memref_slice %arg5[%dma_wait3A_428] : memref<6400xi32, #tpu.memory_space<vmem>> -> memref<128xi32, #tpu.memory_space<vmem>>
      %dma_wait3A_430 = arith.constant 0 : i32
      %dma_wait3A_431 = arith.constant 0 : i32
      %dma_wait3A_432 = tpu.memref_slice %arg2[%dma_wait3A_430, %dma_wait3A_431] : memref<100000x128xf32, #tpu.memory_space<hbm>> -> memref<100000x128xf32, #tpu.memory_space<hbm>>
      tpu.wait_indirect_dma semaphore(%arg9 : memref<!tpu.dma_semaphore, #tpu.memory_space<semaphore_mem>>) src(%dma_wait3A_432 : memref<100000x128xf32, #tpu.memory_space<hbm>>) dst(%dma_wait3A_427 : memref<128x128xf32, #tpu.memory_space<vmem>>)
      %mul3A_433 = arith.constant 128 : i32
      %mul3A_434 = arith.muli %add3A_396, %mul3A_433 : i32
      %add3A_435 = arith.addi %mul3A_2, %mul3A_434 : i32
      %dma_start3A_436 = arith.constant 2 : i32
      %dma_start3A_437 = arith.constant 0 : i32
      %dma_start3A_438 = arith.constant 0 : i32
      %dma_start3A_439 = tpu.memref_slice %arg6[%dma_start3A_436, %dma_start3A_437, %dma_start3A_438] : memref<6x128x128xf32, #tpu.memory_space<vmem>> -> memref<1x128x128xf32, #tpu.memory_space<vmem>>
      %dma_start3A_440 = tpu.memref_squeeze %dma_start3A_439 : memref<1x128x128xf32, #tpu.memory_space<vmem>> -> memref<128x128xf32, #tpu.memory_space<vmem>>
      %dma_start3A_441 = arith.constant 0 : i32
      %dma_start3A_442 = tpu.memref_slice %arg4[%add3A_435, %dma_start3A_441] : memref<204800x128xf32, #tpu.memory_space<hbm>> -> memref<128x128xf32, #tpu.memory_space<hbm>>
      %dma_start3A_443 = arith.constant 0 : i32
      %dma_start3A_444 = tpu.memref_slice %arg4[%add3A_435, %dma_start3A_443] : memref<204800x128xf32, #tpu.memory_space<hbm>> -> memref<128x128xf32, #tpu.memory_space<hbm>>
      %dma_start3A_445 = arith.constant 0 : i32
      %dma_start3A_446 = arith.constant 0 : i32
      %dma_start3A_447 = tpu.memref_slice %arg6[%dma_start3A_436, %dma_start3A_445, %dma_start3A_446] : memref<6x128x128xf32, #tpu.memory_space<vmem>> -> memref<1x128x128xf32, #tpu.memory_space<vmem>>
      %dma_start3A_448 = tpu.memref_squeeze %dma_start3A_447 : memref<1x128x128xf32, #tpu.memory_space<vmem>> -> memref<128x128xf32, #tpu.memory_space<vmem>>
      tpu.enqueue_dma source(%dma_start3A_448 : memref<128x128xf32, #tpu.memory_space<vmem>>) target(%dma_start3A_444 : memref<128x128xf32, #tpu.memory_space<hbm>>) target_semaphore(%arg15 : memref<!tpu.dma_semaphore, #tpu.memory_space<semaphore_mem>>)
      %add3A_449 = arith.constant 1 : i32
      %add3A_450 = arith.addi %add3A_394, %add3A_449 : i32
      %dma_wait3A_451 = arith.constant 1 : i32
      %dma_wait3A_452 = arith.constant 0 : i32
      %dma_wait3A_453 = arith.constant 0 : i32
      %dma_wait3A_454 = tpu.memref_slice %arg6[%dma_wait3A_451, %dma_wait3A_452, %dma_wait3A_453] : memref<6x128x128xf32, #tpu.memory_space<vmem>> -> memref<1x128x128xf32, #tpu.memory_space<vmem>>
      %dma_wait3A_455 = tpu.memref_squeeze %dma_wait3A_454 : memref<1x128x128xf32, #tpu.memory_space<vmem>> -> memref<128x128xf32, #tpu.memory_space<vmem>>
      %dma_wait3A_456 = arith.constant 0 : i32
      %dma_wait3A_457 = tpu.memref_slice %arg4[%mul3A_2, %dma_wait3A_456] : memref<204800x128xf32, #tpu.memory_space<hbm>> -> memref<128x128xf32, #tpu.memory_space<hbm>>
      %dma_wait3A_458 = arith.constant 0 : i32
      %dma_wait3A_459 = tpu.memref_slice %arg4[%mul3A_2, %dma_wait3A_458] : memref<204800x128xf32, #tpu.memory_space<hbm>> -> memref<128x128xf32, #tpu.memory_space<hbm>>
      %dma_wait3A_460 = arith.constant 0 : i32
      %dma_wait3A_461 = arith.constant 0 : i32
      %dma_wait3A_462 = tpu.memref_slice %arg6[%dma_wait3A_451, %dma_wait3A_460, %dma_wait3A_461] : memref<6x128x128xf32, #tpu.memory_space<vmem>> -> memref<1x128x128xf32, #tpu.memory_space<vmem>>
      %dma_wait3A_463 = tpu.memref_squeeze %dma_wait3A_462 : memref<1x128x128xf32, #tpu.memory_space<vmem>> -> memref<128x128xf32, #tpu.memory_space<vmem>>
      tpu.wait_dma2 semaphore(%arg14 : memref<!tpu.dma_semaphore, #tpu.memory_space<semaphore_mem>>) src(%dma_wait3A_463 : memref<128x128xf32, #tpu.memory_space<vmem>>) dst(%dma_wait3A_459 : memref<128x128xf32, #tpu.memory_space<hbm>>)
      %add3A_464 = arith.constant 4 : i32
      %add3A_465 = arith.addi %add3A_450, %add3A_464 : i32
      %mul3A_466 = arith.constant 128 : i32
      %mul3A_467 = arith.muli %add3A_465, %mul3A_466 : i32
      %dma_start3A_468 = arith.constant 1 : i32
      %dma_start3A_469 = arith.constant 0 : i32
      %dma_start3A_470 = arith.constant 0 : i32
      %dma_start3A_471 = tpu.memref_slice %arg6[%dma_start3A_468, %dma_start3A_469, %dma_start3A_470] : memref<6x128x128xf32, #tpu.memory_space<vmem>> -> memref<1x128x128xf32, #tpu.memory_space<vmem>>
      %dma_start3A_472 = tpu.memref_squeeze %dma_start3A_471 : memref<1x128x128xf32, #tpu.memory_space<vmem>> -> memref<128x128xf32, #tpu.memory_space<vmem>>
      %dma_start3A_473 = tpu.memref_slice %arg5[%mul3A_467] : memref<6400xi32, #tpu.memory_space<vmem>> -> memref<128xi32, #tpu.memory_space<vmem>>
      %dma_start3A_474 = arith.constant 0 : i32
      %dma_start3A_475 = arith.constant 0 : i32
      %dma_start3A_476 = tpu.memref_slice %arg2[%dma_start3A_474, %dma_start3A_475] : memref<100000x128xf32, #tpu.memory_space<hbm>> -> memref<100000x128xf32, #tpu.memory_space<hbm>>
      tpu.enqueue_indirect_dma source(%dma_start3A_476 : memref<100000x128xf32, #tpu.memory_space<hbm>>) target(%dma_start3A_472 : memref<128x128xf32, #tpu.memory_space<vmem>>) offsets(%dma_start3A_473 : memref<128xi32, #tpu.memory_space<vmem>>) semaphore(%arg8 : memref<!tpu.dma_semaphore, #tpu.memory_space<semaphore_mem>>)
      %dma_wait3A_477 = arith.constant 3 : i32
      %dma_wait3A_478 = arith.constant 0 : i32
      %dma_wait3A_479 = arith.constant 0 : i32
      %dma_wait3A_480 = tpu.memref_slice %arg6[%dma_wait3A_477, %dma_wait3A_478, %dma_wait3A_479] : memref<6x128x128xf32, #tpu.memory_space<vmem>> -> memref<1x128x128xf32, #tpu.memory_space<vmem>>
      %dma_wait3A_481 = tpu.memref_squeeze %dma_wait3A_480 : memref<1x128x128xf32, #tpu.memory_space<vmem>> -> memref<128x128xf32, #tpu.memory_space<vmem>>
      %dma_wait3A_482 = arith.constant 0 : i32
      %dma_wait3A_483 = tpu.memref_slice %arg5[%dma_wait3A_482] : memref<6400xi32, #tpu.memory_space<vmem>> -> memref<128xi32, #tpu.memory_space<vmem>>
      %dma_wait3A_484 = arith.constant 0 : i32
      %dma_wait3A_485 = arith.constant 0 : i32
      %dma_wait3A_486 = tpu.memref_slice %arg2[%dma_wait3A_484, %dma_wait3A_485] : memref<100000x128xf32, #tpu.memory_space<hbm>> -> memref<100000x128xf32, #tpu.memory_space<hbm>>
      tpu.wait_indirect_dma semaphore(%arg10 : memref<!tpu.dma_semaphore, #tpu.memory_space<semaphore_mem>>) src(%dma_wait3A_486 : memref<100000x128xf32, #tpu.memory_space<hbm>>) dst(%dma_wait3A_481 : memref<128x128xf32, #tpu.memory_space<vmem>>)
      %mul3A_487 = arith.constant 128 : i32
      %mul3A_488 = arith.muli %add3A_450, %mul3A_487 : i32
      %add3A_489 = arith.addi %mul3A_2, %mul3A_488 : i32
      %dma_start3A_490 = arith.constant 3 : i32
      %dma_start3A_491 = arith.constant 0 : i32
      %dma_start3A_492 = arith.constant 0 : i32
      %dma_start3A_493 = tpu.memref_slice %arg6[%dma_start3A_490, %dma_start3A_491, %dma_start3A_492] : memref<6x128x128xf32, #tpu.memory_space<vmem>> -> memref<1x128x128xf32, #tpu.memory_space<vmem>>
      %dma_start3A_494 = tpu.memref_squeeze %dma_start3A_493 : memref<1x128x128xf32, #tpu.memory_space<vmem>> -> memref<128x128xf32, #tpu.memory_space<vmem>>
      %dma_start3A_495 = arith.constant 0 : i32
      %dma_start3A_496 = tpu.memref_slice %arg4[%add3A_489, %dma_start3A_495] : memref<204800x128xf32, #tpu.memory_space<hbm>> -> memref<128x128xf32, #tpu.memory_space<hbm>>
      %dma_start3A_497 = arith.constant 0 : i32
      %dma_start3A_498 = tpu.memref_slice %arg4[%add3A_489, %dma_start3A_497] : memref<204800x128xf32, #tpu.memory_space<hbm>> -> memref<128x128xf32, #tpu.memory_space<hbm>>
      %dma_start3A_499 = arith.constant 0 : i32
      %dma_start3A_500 = arith.constant 0 : i32
      %dma_start3A_501 = tpu.memref_slice %arg6[%dma_start3A_490, %dma_start3A_499, %dma_start3A_500] : memref<6x128x128xf32, #tpu.memory_space<vmem>> -> memref<1x128x128xf32, #tpu.memory_space<vmem>>
      %dma_start3A_502 = tpu.memref_squeeze %dma_start3A_501 : memref<1x128x128xf32, #tpu.memory_space<vmem>> -> memref<128x128xf32, #tpu.memory_space<vmem>>
      tpu.enqueue_dma source(%dma_start3A_502 : memref<128x128xf32, #tpu.memory_space<vmem>>) target(%dma_start3A_498 : memref<128x128xf32, #tpu.memory_space<hbm>>) target_semaphore(%arg16 : memref<!tpu.dma_semaphore, #tpu.memory_space<semaphore_mem>>)
      %add3A_503 = arith.constant 2 : i32
      %add3A_504 = arith.addi %add3A_394, %add3A_503 : i32
      %dma_wait3A_505 = arith.constant 2 : i32
      %dma_wait3A_506 = arith.constant 0 : i32
      %dma_wait3A_507 = arith.constant 0 : i32
      %dma_wait3A_508 = tpu.memref_slice %arg6[%dma_wait3A_505, %dma_wait3A_506, %dma_wait3A_507] : memref<6x128x128xf32, #tpu.memory_space<vmem>> -> memref<1x128x128xf32, #tpu.memory_space<vmem>>
      %dma_wait3A_509 = tpu.memref_squeeze %dma_wait3A_508 : memref<1x128x128xf32, #tpu.memory_space<vmem>> -> memref<128x128xf32, #tpu.memory_space<vmem>>
      %dma_wait3A_510 = arith.constant 0 : i32
      %dma_wait3A_511 = tpu.memref_slice %arg4[%mul3A_2, %dma_wait3A_510] : memref<204800x128xf32, #tpu.memory_space<hbm>> -> memref<128x128xf32, #tpu.memory_space<hbm>>
      %dma_wait3A_512 = arith.constant 0 : i32
      %dma_wait3A_513 = tpu.memref_slice %arg4[%mul3A_2, %dma_wait3A_512] : memref<204800x128xf32, #tpu.memory_space<hbm>> -> memref<128x128xf32, #tpu.memory_space<hbm>>
      %dma_wait3A_514 = arith.constant 0 : i32
      %dma_wait3A_515 = arith.constant 0 : i32
      %dma_wait3A_516 = tpu.memref_slice %arg6[%dma_wait3A_505, %dma_wait3A_514, %dma_wait3A_515] : memref<6x128x128xf32, #tpu.memory_space<vmem>> -> memref<1x128x128xf32, #tpu.memory_space<vmem>>
      %dma_wait3A_517 = tpu.memref_squeeze %dma_wait3A_516 : memref<1x128x128xf32, #tpu.memory_space<vmem>> -> memref<128x128xf32, #tpu.memory_space<vmem>>
      tpu.wait_dma2 semaphore(%arg15 : memref<!tpu.dma_semaphore, #tpu.memory_space<semaphore_mem>>) src(%dma_wait3A_517 : memref<128x128xf32, #tpu.memory_space<vmem>>) dst(%dma_wait3A_513 : memref<128x128xf32, #tpu.memory_space<hbm>>)
      %add3A_518 = arith.constant 4 : i32
      %add3A_519 = arith.addi %add3A_504, %add3A_518 : i32
      %mul3A_520 = arith.constant 128 : i32
      %mul3A_521 = arith.muli %add3A_519, %mul3A_520 : i32
      %dma_start3A_522 = arith.constant 2 : i32
      %dma_start3A_523 = arith.constant 0 : i32
      %dma_start3A_524 = arith.constant 0 : i32
      %dma_start3A_525 = tpu.memref_slice %arg6[%dma_start3A_522, %dma_start3A_523, %dma_start3A_524] : memref<6x128x128xf32, #tpu.memory_space<vmem>> -> memref<1x128x128xf32, #tpu.memory_space<vmem>>
      %dma_start3A_526 = tpu.memref_squeeze %dma_start3A_525 : memref<1x128x128xf32, #tpu.memory_space<vmem>> -> memref<128x128xf32, #tpu.memory_space<vmem>>
      %dma_start3A_527 = tpu.memref_slice %arg5[%mul3A_521] : memref<6400xi32, #tpu.memory_space<vmem>> -> memref<128xi32, #tpu.memory_space<vmem>>
      %dma_start3A_528 = arith.constant 0 : i32
      %dma_start3A_529 = arith.constant 0 : i32
      %dma_start3A_530 = tpu.memref_slice %arg2[%dma_start3A_528, %dma_start3A_529] : memref<100000x128xf32, #tpu.memory_space<hbm>> -> memref<100000x128xf32, #tpu.memory_space<hbm>>
      tpu.enqueue_indirect_dma source(%dma_start3A_530 : memref<100000x128xf32, #tpu.memory_space<hbm>>) target(%dma_start3A_526 : memref<128x128xf32, #tpu.memory_space<vmem>>) offsets(%dma_start3A_527 : memref<128xi32, #tpu.memory_space<vmem>>) semaphore(%arg9 : memref<!tpu.dma_semaphore, #tpu.memory_space<semaphore_mem>>)
      %dma_wait3A_531 = arith.constant 4 : i32
      %dma_wait3A_532 = arith.constant 0 : i32
      %dma_wait3A_533 = arith.constant 0 : i32
      %dma_wait3A_534 = tpu.memref_slice %arg6[%dma_wait3A_531, %dma_wait3A_532, %dma_wait3A_533] : memref<6x128x128xf32, #tpu.memory_space<vmem>> -> memref<1x128x128xf32, #tpu.memory_space<vmem>>
      %dma_wait3A_535 = tpu.memref_squeeze %dma_wait3A_534 : memref<1x128x128xf32, #tpu.memory_space<vmem>> -> memref<128x128xf32, #tpu.memory_space<vmem>>
      %dma_wait3A_536 = arith.constant 0 : i32
      %dma_wait3A_537 = tpu.memref_slice %arg5[%dma_wait3A_536] : memref<6400xi32, #tpu.memory_space<vmem>> -> memref<128xi32, #tpu.memory_space<vmem>>
      %dma_wait3A_538 = arith.constant 0 : i32
      %dma_wait3A_539 = arith.constant 0 : i32
      %dma_wait3A_540 = tpu.memref_slice %arg2[%dma_wait3A_538, %dma_wait3A_539] : memref<100000x128xf32, #tpu.memory_space<hbm>> -> memref<100000x128xf32, #tpu.memory_space<hbm>>
      tpu.wait_indirect_dma semaphore(%arg11 : memref<!tpu.dma_semaphore, #tpu.memory_space<semaphore_mem>>) src(%dma_wait3A_540 : memref<100000x128xf32, #tpu.memory_space<hbm>>) dst(%dma_wait3A_535 : memref<128x128xf32, #tpu.memory_space<vmem>>)
      %mul3A_541 = arith.constant 128 : i32
      %mul3A_542 = arith.muli %add3A_504, %mul3A_541 : i32
      %add3A_543 = arith.addi %mul3A_2, %mul3A_542 : i32
      %dma_start3A_544 = arith.constant 4 : i32
      %dma_start3A_545 = arith.constant 0 : i32
      %dma_start3A_546 = arith.constant 0 : i32
      %dma_start3A_547 = tpu.memref_slice %arg6[%dma_start3A_544, %dma_start3A_545, %dma_start3A_546] : memref<6x128x128xf32, #tpu.memory_space<vmem>> -> memref<1x128x128xf32, #tpu.memory_space<vmem>>
      %dma_start3A_548 = tpu.memref_squeeze %dma_start3A_547 : memref<1x128x128xf32, #tpu.memory_space<vmem>> -> memref<128x128xf32, #tpu.memory_space<vmem>>
      %dma_start3A_549 = arith.constant 0 : i32
      %dma_start3A_550 = tpu.memref_slice %arg4[%add3A_543, %dma_start3A_549] : memref<204800x128xf32, #tpu.memory_space<hbm>> -> memref<128x128xf32, #tpu.memory_space<hbm>>
      %dma_start3A_551 = arith.constant 0 : i32
      %dma_start3A_552 = tpu.memref_slice %arg4[%add3A_543, %dma_start3A_551] : memref<204800x128xf32, #tpu.memory_space<hbm>> -> memref<128x128xf32, #tpu.memory_space<hbm>>
      %dma_start3A_553 = arith.constant 0 : i32
      %dma_start3A_554 = arith.constant 0 : i32
      %dma_start3A_555 = tpu.memref_slice %arg6[%dma_start3A_544, %dma_start3A_553, %dma_start3A_554] : memref<6x128x128xf32, #tpu.memory_space<vmem>> -> memref<1x128x128xf32, #tpu.memory_space<vmem>>
      %dma_start3A_556 = tpu.memref_squeeze %dma_start3A_555 : memref<1x128x128xf32, #tpu.memory_space<vmem>> -> memref<128x128xf32, #tpu.memory_space<vmem>>
      tpu.enqueue_dma source(%dma_start3A_556 : memref<128x128xf32, #tpu.memory_space<vmem>>) target(%dma_start3A_552 : memref<128x128xf32, #tpu.memory_space<hbm>>) target_semaphore(%arg17 : memref<!tpu.dma_semaphore, #tpu.memory_space<semaphore_mem>>)
      %add3A_557 = arith.constant 3 : i32
      %add3A_558 = arith.addi %add3A_394, %add3A_557 : i32
      %dma_wait3A_559 = arith.constant 3 : i32
      %dma_wait3A_560 = arith.constant 0 : i32
      %dma_wait3A_561 = arith.constant 0 : i32
      %dma_wait3A_562 = tpu.memref_slice %arg6[%dma_wait3A_559, %dma_wait3A_560, %dma_wait3A_561] : memref<6x128x128xf32, #tpu.memory_space<vmem>> -> memref<1x128x128xf32, #tpu.memory_space<vmem>>
      %dma_wait3A_563 = tpu.memref_squeeze %dma_wait3A_562 : memref<1x128x128xf32, #tpu.memory_space<vmem>> -> memref<128x128xf32, #tpu.memory_space<vmem>>
      %dma_wait3A_564 = arith.constant 0 : i32
      %dma_wait3A_565 = tpu.memref_slice %arg4[%mul3A_2, %dma_wait3A_564] : memref<204800x128xf32, #tpu.memory_space<hbm>> -> memref<128x128xf32, #tpu.memory_space<hbm>>
      %dma_wait3A_566 = arith.constant 0 : i32
      %dma_wait3A_567 = tpu.memref_slice %arg4[%mul3A_2, %dma_wait3A_566] : memref<204800x128xf32, #tpu.memory_space<hbm>> -> memref<128x128xf32, #tpu.memory_space<hbm>>
      %dma_wait3A_568 = arith.constant 0 : i32
      %dma_wait3A_569 = arith.constant 0 : i32
      %dma_wait3A_570 = tpu.memref_slice %arg6[%dma_wait3A_559, %dma_wait3A_568, %dma_wait3A_569] : memref<6x128x128xf32, #tpu.memory_space<vmem>> -> memref<1x128x128xf32, #tpu.memory_space<vmem>>
      %dma_wait3A_571 = tpu.memref_squeeze %dma_wait3A_570 : memref<1x128x128xf32, #tpu.memory_space<vmem>> -> memref<128x128xf32, #tpu.memory_space<vmem>>
      tpu.wait_dma2 semaphore(%arg16 : memref<!tpu.dma_semaphore, #tpu.memory_space<semaphore_mem>>) src(%dma_wait3A_571 : memref<128x128xf32, #tpu.memory_space<vmem>>) dst(%dma_wait3A_567 : memref<128x128xf32, #tpu.memory_space<hbm>>)
      %add3A_572 = arith.constant 4 : i32
      %add3A_573 = arith.addi %add3A_558, %add3A_572 : i32
      %mul3A_574 = arith.constant 128 : i32
      %mul3A_575 = arith.muli %add3A_573, %mul3A_574 : i32
      %dma_start3A_576 = arith.constant 3 : i32
      %dma_start3A_577 = arith.constant 0 : i32
      %dma_start3A_578 = arith.constant 0 : i32
      %dma_start3A_579 = tpu.memref_slice %arg6[%dma_start3A_576, %dma_start3A_577, %dma_start3A_578] : memref<6x128x128xf32, #tpu.memory_space<vmem>> -> memref<1x128x128xf32, #tpu.memory_space<vmem>>
      %dma_start3A_580 = tpu.memref_squeeze %dma_start3A_579 : memref<1x128x128xf32, #tpu.memory_space<vmem>> -> memref<128x128xf32, #tpu.memory_space<vmem>>
      %dma_start3A_581 = tpu.memref_slice %arg5[%mul3A_575] : memref<6400xi32, #tpu.memory_space<vmem>> -> memref<128xi32, #tpu.memory_space<vmem>>
      %dma_start3A_582 = arith.constant 0 : i32
      %dma_start3A_583 = arith.constant 0 : i32
      %dma_start3A_584 = tpu.memref_slice %arg2[%dma_start3A_582, %dma_start3A_583] : memref<100000x128xf32, #tpu.memory_space<hbm>> -> memref<100000x128xf32, #tpu.memory_space<hbm>>
      tpu.enqueue_indirect_dma source(%dma_start3A_584 : memref<100000x128xf32, #tpu.memory_space<hbm>>) target(%dma_start3A_580 : memref<128x128xf32, #tpu.memory_space<vmem>>) offsets(%dma_start3A_581 : memref<128xi32, #tpu.memory_space<vmem>>) semaphore(%arg10 : memref<!tpu.dma_semaphore, #tpu.memory_space<semaphore_mem>>)
      %dma_wait3A_585 = arith.constant 5 : i32
      %dma_wait3A_586 = arith.constant 0 : i32
      %dma_wait3A_587 = arith.constant 0 : i32
      %dma_wait3A_588 = tpu.memref_slice %arg6[%dma_wait3A_585, %dma_wait3A_586, %dma_wait3A_587] : memref<6x128x128xf32, #tpu.memory_space<vmem>> -> memref<1x128x128xf32, #tpu.memory_space<vmem>>
      %dma_wait3A_589 = tpu.memref_squeeze %dma_wait3A_588 : memref<1x128x128xf32, #tpu.memory_space<vmem>> -> memref<128x128xf32, #tpu.memory_space<vmem>>
      %dma_wait3A_590 = arith.constant 0 : i32
      %dma_wait3A_591 = tpu.memref_slice %arg5[%dma_wait3A_590] : memref<6400xi32, #tpu.memory_space<vmem>> -> memref<128xi32, #tpu.memory_space<vmem>>
      %dma_wait3A_592 = arith.constant 0 : i32
      %dma_wait3A_593 = arith.constant 0 : i32
      %dma_wait3A_594 = tpu.memref_slice %arg2[%dma_wait3A_592, %dma_wait3A_593] : memref<100000x128xf32, #tpu.memory_space<hbm>> -> memref<100000x128xf32, #tpu.memory_space<hbm>>
      tpu.wait_indirect_dma semaphore(%arg12 : memref<!tpu.dma_semaphore, #tpu.memory_space<semaphore_mem>>) src(%dma_wait3A_594 : memref<100000x128xf32, #tpu.memory_space<hbm>>) dst(%dma_wait3A_589 : memref<128x128xf32, #tpu.memory_space<vmem>>)
      %mul3A_595 = arith.constant 128 : i32
      %mul3A_596 = arith.muli %add3A_558, %mul3A_595 : i32
      %add3A_597 = arith.addi %mul3A_2, %mul3A_596 : i32
      %dma_start3A_598 = arith.constant 5 : i32
      %dma_start3A_599 = arith.constant 0 : i32
      %dma_start3A_600 = arith.constant 0 : i32
      %dma_start3A_601 = tpu.memref_slice %arg6[%dma_start3A_598, %dma_start3A_599, %dma_start3A_600] : memref<6x128x128xf32, #tpu.memory_space<vmem>> -> memref<1x128x128xf32, #tpu.memory_space<vmem>>
      %dma_start3A_602 = tpu.memref_squeeze %dma_start3A_601 : memref<1x128x128xf32, #tpu.memory_space<vmem>> -> memref<128x128xf32, #tpu.memory_space<vmem>>
      %dma_start3A_603 = arith.constant 0 : i32
      %dma_start3A_604 = tpu.memref_slice %arg4[%add3A_597, %dma_start3A_603] : memref<204800x128xf32, #tpu.memory_space<hbm>> -> memref<128x128xf32, #tpu.memory_space<hbm>>
      %dma_start3A_605 = arith.constant 0 : i32
      %dma_start3A_606 = tpu.memref_slice %arg4[%add3A_597, %dma_start3A_605] : memref<204800x128xf32, #tpu.memory_space<hbm>> -> memref<128x128xf32, #tpu.memory_space<hbm>>
      %dma_start3A_607 = arith.constant 0 : i32
      %dma_start3A_608 = arith.constant 0 : i32
      %dma_start3A_609 = tpu.memref_slice %arg6[%dma_start3A_598, %dma_start3A_607, %dma_start3A_608] : memref<6x128x128xf32, #tpu.memory_space<vmem>> -> memref<1x128x128xf32, #tpu.memory_space<vmem>>
      %dma_start3A_610 = tpu.memref_squeeze %dma_start3A_609 : memref<1x128x128xf32, #tpu.memory_space<vmem>> -> memref<128x128xf32, #tpu.memory_space<vmem>>
      tpu.enqueue_dma source(%dma_start3A_610 : memref<128x128xf32, #tpu.memory_space<vmem>>) target(%dma_start3A_606 : memref<128x128xf32, #tpu.memory_space<hbm>>) target_semaphore(%arg18 : memref<!tpu.dma_semaphore, #tpu.memory_space<semaphore_mem>>)
      %add3A_611 = arith.constant 4 : i32
      %add3A_612 = arith.addi %add3A_394, %add3A_611 : i32
      %dma_wait3A_613 = arith.constant 4 : i32
      %dma_wait3A_614 = arith.constant 0 : i32
      %dma_wait3A_615 = arith.constant 0 : i32
      %dma_wait3A_616 = tpu.memref_slice %arg6[%dma_wait3A_613, %dma_wait3A_614, %dma_wait3A_615] : memref<6x128x128xf32, #tpu.memory_space<vmem>> -> memref<1x128x128xf32, #tpu.memory_space<vmem>>
      %dma_wait3A_617 = tpu.memref_squeeze %dma_wait3A_616 : memref<1x128x128xf32, #tpu.memory_space<vmem>> -> memref<128x128xf32, #tpu.memory_space<vmem>>
      %dma_wait3A_618 = arith.constant 0 : i32
      %dma_wait3A_619 = tpu.memref_slice %arg4[%mul3A_2, %dma_wait3A_618] : memref<204800x128xf32, #tpu.memory_space<hbm>> -> memref<128x128xf32, #tpu.memory_space<hbm>>
      %dma_wait3A_620 = arith.constant 0 : i32
      %dma_wait3A_621 = tpu.memref_slice %arg4[%mul3A_2, %dma_wait3A_620] : memref<204800x128xf32, #tpu.memory_space<hbm>> -> memref<128x128xf32, #tpu.memory_space<hbm>>
      %dma_wait3A_622 = arith.constant 0 : i32
      %dma_wait3A_623 = arith.constant 0 : i32
      %dma_wait3A_624 = tpu.memref_slice %arg6[%dma_wait3A_613, %dma_wait3A_622, %dma_wait3A_623] : memref<6x128x128xf32, #tpu.memory_space<vmem>> -> memref<1x128x128xf32, #tpu.memory_space<vmem>>
      %dma_wait3A_625 = tpu.memref_squeeze %dma_wait3A_624 : memref<1x128x128xf32, #tpu.memory_space<vmem>> -> memref<128x128xf32, #tpu.memory_space<vmem>>
      tpu.wait_dma2 semaphore(%arg17 : memref<!tpu.dma_semaphore, #tpu.memory_space<semaphore_mem>>) src(%dma_wait3A_625 : memref<128x128xf32, #tpu.memory_space<vmem>>) dst(%dma_wait3A_621 : memref<128x128xf32, #tpu.memory_space<hbm>>)
      %add3A_626 = arith.constant 4 : i32
      %add3A_627 = arith.addi %add3A_612, %add3A_626 : i32
      %mul3A_628 = arith.constant 128 : i32
      %mul3A_629 = arith.muli %add3A_627, %mul3A_628 : i32
      %dma_start3A_630 = arith.constant 4 : i32
      %dma_start3A_631 = arith.constant 0 : i32
      %dma_start3A_632 = arith.constant 0 : i32
      %dma_start3A_633 = tpu.memref_slice %arg6[%dma_start3A_630, %dma_start3A_631, %dma_start3A_632] : memref<6x128x128xf32, #tpu.memory_space<vmem>> -> memref<1x128x128xf32, #tpu.memory_space<vmem>>
      %dma_start3A_634 = tpu.memref_squeeze %dma_start3A_633 : memref<1x128x128xf32, #tpu.memory_space<vmem>> -> memref<128x128xf32, #tpu.memory_space<vmem>>
      %dma_start3A_635 = tpu.memref_slice %arg5[%mul3A_629] : memref<6400xi32, #tpu.memory_space<vmem>> -> memref<128xi32, #tpu.memory_space<vmem>>
      %dma_start3A_636 = arith.constant 0 : i32
      %dma_start3A_637 = arith.constant 0 : i32
      %dma_start3A_638 = tpu.memref_slice %arg2[%dma_start3A_636, %dma_start3A_637] : memref<100000x128xf32, #tpu.memory_space<hbm>> -> memref<100000x128xf32, #tpu.memory_space<hbm>>
      tpu.enqueue_indirect_dma source(%dma_start3A_638 : memref<100000x128xf32, #tpu.memory_space<hbm>>) target(%dma_start3A_634 : memref<128x128xf32, #tpu.memory_space<vmem>>) offsets(%dma_start3A_635 : memref<128xi32, #tpu.memory_space<vmem>>) semaphore(%arg11 : memref<!tpu.dma_semaphore, #tpu.memory_space<semaphore_mem>>)
      %dma_wait3A_639 = arith.constant 0 : i32
      %dma_wait3A_640 = arith.constant 0 : i32
      %dma_wait3A_641 = arith.constant 0 : i32
      %dma_wait3A_642 = tpu.memref_slice %arg6[%dma_wait3A_639, %dma_wait3A_640, %dma_wait3A_641] : memref<6x128x128xf32, #tpu.memory_space<vmem>> -> memref<1x128x128xf32, #tpu.memory_space<vmem>>
      %dma_wait3A_643 = tpu.memref_squeeze %dma_wait3A_642 : memref<1x128x128xf32, #tpu.memory_space<vmem>> -> memref<128x128xf32, #tpu.memory_space<vmem>>
      %dma_wait3A_644 = arith.constant 0 : i32
      %dma_wait3A_645 = tpu.memref_slice %arg5[%dma_wait3A_644] : memref<6400xi32, #tpu.memory_space<vmem>> -> memref<128xi32, #tpu.memory_space<vmem>>
      %dma_wait3A_646 = arith.constant 0 : i32
      %dma_wait3A_647 = arith.constant 0 : i32
      %dma_wait3A_648 = tpu.memref_slice %arg2[%dma_wait3A_646, %dma_wait3A_647] : memref<100000x128xf32, #tpu.memory_space<hbm>> -> memref<100000x128xf32, #tpu.memory_space<hbm>>
      tpu.wait_indirect_dma semaphore(%arg7 : memref<!tpu.dma_semaphore, #tpu.memory_space<semaphore_mem>>) src(%dma_wait3A_648 : memref<100000x128xf32, #tpu.memory_space<hbm>>) dst(%dma_wait3A_643 : memref<128x128xf32, #tpu.memory_space<vmem>>)
      %mul3A_649 = arith.constant 128 : i32
      %mul3A_650 = arith.muli %add3A_612, %mul3A_649 : i32
      %add3A_651 = arith.addi %mul3A_2, %mul3A_650 : i32
      %dma_start3A_652 = arith.constant 0 : i32
      %dma_start3A_653 = arith.constant 0 : i32
      %dma_start3A_654 = arith.constant 0 : i32
      %dma_start3A_655 = tpu.memref_slice %arg6[%dma_start3A_652, %dma_start3A_653, %dma_start3A_654] : memref<6x128x128xf32, #tpu.memory_space<vmem>> -> memref<1x128x128xf32, #tpu.memory_space<vmem>>
      %dma_start3A_656 = tpu.memref_squeeze %dma_start3A_655 : memref<1x128x128xf32, #tpu.memory_space<vmem>> -> memref<128x128xf32, #tpu.memory_space<vmem>>
      %dma_start3A_657 = arith.constant 0 : i32
      %dma_start3A_658 = tpu.memref_slice %arg4[%add3A_651, %dma_start3A_657] : memref<204800x128xf32, #tpu.memory_space<hbm>> -> memref<128x128xf32, #tpu.memory_space<hbm>>
      %dma_start3A_659 = arith.constant 0 : i32
      %dma_start3A_660 = tpu.memref_slice %arg4[%add3A_651, %dma_start3A_659] : memref<204800x128xf32, #tpu.memory_space<hbm>> -> memref<128x128xf32, #tpu.memory_space<hbm>>
      %dma_start3A_661 = arith.constant 0 : i32
      %dma_start3A_662 = arith.constant 0 : i32
      %dma_start3A_663 = tpu.memref_slice %arg6[%dma_start3A_652, %dma_start3A_661, %dma_start3A_662] : memref<6x128x128xf32, #tpu.memory_space<vmem>> -> memref<1x128x128xf32, #tpu.memory_space<vmem>>
      %dma_start3A_664 = tpu.memref_squeeze %dma_start3A_663 : memref<1x128x128xf32, #tpu.memory_space<vmem>> -> memref<128x128xf32, #tpu.memory_space<vmem>>
      tpu.enqueue_dma source(%dma_start3A_664 : memref<128x128xf32, #tpu.memory_space<vmem>>) target(%dma_start3A_660 : memref<128x128xf32, #tpu.memory_space<hbm>>) target_semaphore(%arg13 : memref<!tpu.dma_semaphore, #tpu.memory_space<semaphore_mem>>)
      %add3A_665 = arith.constant 5 : i32
      %add3A_666 = arith.addi %add3A_394, %add3A_665 : i32
      %dma_wait3A_667 = arith.constant 5 : i32
      %dma_wait3A_668 = arith.constant 0 : i32
      %dma_wait3A_669 = arith.constant 0 : i32
      %dma_wait3A_670 = tpu.memref_slice %arg6[%dma_wait3A_667, %dma_wait3A_668, %dma_wait3A_669] : memref<6x128x128xf32, #tpu.memory_space<vmem>> -> memref<1x128x128xf32, #tpu.memory_space<vmem>>
      %dma_wait3A_671 = tpu.memref_squeeze %dma_wait3A_670 : memref<1x128x128xf32, #tpu.memory_space<vmem>> -> memref<128x128xf32, #tpu.memory_space<vmem>>
      %dma_wait3A_672 = arith.constant 0 : i32
      %dma_wait3A_673 = tpu.memref_slice %arg4[%mul3A_2, %dma_wait3A_672] : memref<204800x128xf32, #tpu.memory_space<hbm>> -> memref<128x128xf32, #tpu.memory_space<hbm>>
      %dma_wait3A_674 = arith.constant 0 : i32
      %dma_wait3A_675 = tpu.memref_slice %arg4[%mul3A_2, %dma_wait3A_674] : memref<204800x128xf32, #tpu.memory_space<hbm>> -> memref<128x128xf32, #tpu.memory_space<hbm>>
      %dma_wait3A_676 = arith.constant 0 : i32
      %dma_wait3A_677 = arith.constant 0 : i32
      %dma_wait3A_678 = tpu.memref_slice %arg6[%dma_wait3A_667, %dma_wait3A_676, %dma_wait3A_677] : memref<6x128x128xf32, #tpu.memory_space<vmem>> -> memref<1x128x128xf32, #tpu.memory_space<vmem>>
      %dma_wait3A_679 = tpu.memref_squeeze %dma_wait3A_678 : memref<1x128x128xf32, #tpu.memory_space<vmem>> -> memref<128x128xf32, #tpu.memory_space<vmem>>
      tpu.wait_dma2 semaphore(%arg18 : memref<!tpu.dma_semaphore, #tpu.memory_space<semaphore_mem>>) src(%dma_wait3A_679 : memref<128x128xf32, #tpu.memory_space<vmem>>) dst(%dma_wait3A_675 : memref<128x128xf32, #tpu.memory_space<hbm>>)
      %add3A_680 = arith.constant 4 : i32
      %add3A_681 = arith.addi %add3A_666, %add3A_680 : i32
      %mul3A_682 = arith.constant 128 : i32
      %mul3A_683 = arith.muli %add3A_681, %mul3A_682 : i32
      %dma_start3A_684 = arith.constant 5 : i32
      %dma_start3A_685 = arith.constant 0 : i32
      %dma_start3A_686 = arith.constant 0 : i32
      %dma_start3A_687 = tpu.memref_slice %arg6[%dma_start3A_684, %dma_start3A_685, %dma_start3A_686] : memref<6x128x128xf32, #tpu.memory_space<vmem>> -> memref<1x128x128xf32, #tpu.memory_space<vmem>>
      %dma_start3A_688 = tpu.memref_squeeze %dma_start3A_687 : memref<1x128x128xf32, #tpu.memory_space<vmem>> -> memref<128x128xf32, #tpu.memory_space<vmem>>
      %dma_start3A_689 = tpu.memref_slice %arg5[%mul3A_683] : memref<6400xi32, #tpu.memory_space<vmem>> -> memref<128xi32, #tpu.memory_space<vmem>>
      %dma_start3A_690 = arith.constant 0 : i32
      %dma_start3A_691 = arith.constant 0 : i32
      %dma_start3A_692 = tpu.memref_slice %arg2[%dma_start3A_690, %dma_start3A_691] : memref<100000x128xf32, #tpu.memory_space<hbm>> -> memref<100000x128xf32, #tpu.memory_space<hbm>>
      tpu.enqueue_indirect_dma source(%dma_start3A_692 : memref<100000x128xf32, #tpu.memory_space<hbm>>) target(%dma_start3A_688 : memref<128x128xf32, #tpu.memory_space<vmem>>) offsets(%dma_start3A_689 : memref<128xi32, #tpu.memory_space<vmem>>) semaphore(%arg12 : memref<!tpu.dma_semaphore, #tpu.memory_space<semaphore_mem>>)
      %dma_wait3A_693 = arith.constant 1 : i32
      %dma_wait3A_694 = arith.constant 0 : i32
      %dma_wait3A_695 = arith.constant 0 : i32
      %dma_wait3A_696 = tpu.memref_slice %arg6[%dma_wait3A_693, %dma_wait3A_694, %dma_wait3A_695] : memref<6x128x128xf32, #tpu.memory_space<vmem>> -> memref<1x128x128xf32, #tpu.memory_space<vmem>>
      %dma_wait3A_697 = tpu.memref_squeeze %dma_wait3A_696 : memref<1x128x128xf32, #tpu.memory_space<vmem>> -> memref<128x128xf32, #tpu.memory_space<vmem>>
      %dma_wait3A_698 = arith.constant 0 : i32
      %dma_wait3A_699 = tpu.memref_slice %arg5[%dma_wait3A_698] : memref<6400xi32, #tpu.memory_space<vmem>> -> memref<128xi32, #tpu.memory_space<vmem>>
      %dma_wait3A_700 = arith.constant 0 : i32
      %dma_wait3A_701 = arith.constant 0 : i32
      %dma_wait3A_702 = tpu.memref_slice %arg2[%dma_wait3A_700, %dma_wait3A_701] : memref<100000x128xf32, #tpu.memory_space<hbm>> -> memref<100000x128xf32, #tpu.memory_space<hbm>>
      tpu.wait_indirect_dma semaphore(%arg8 : memref<!tpu.dma_semaphore, #tpu.memory_space<semaphore_mem>>) src(%dma_wait3A_702 : memref<100000x128xf32, #tpu.memory_space<hbm>>) dst(%dma_wait3A_697 : memref<128x128xf32, #tpu.memory_space<vmem>>)
      %mul3A_703 = arith.constant 128 : i32
      %mul3A_704 = arith.muli %add3A_666, %mul3A_703 : i32
      %add3A_705 = arith.addi %mul3A_2, %mul3A_704 : i32
      %dma_start3A_706 = arith.constant 1 : i32
      %dma_start3A_707 = arith.constant 0 : i32
      %dma_start3A_708 = arith.constant 0 : i32
      %dma_start3A_709 = tpu.memref_slice %arg6[%dma_start3A_706, %dma_start3A_707, %dma_start3A_708] : memref<6x128x128xf32, #tpu.memory_space<vmem>> -> memref<1x128x128xf32, #tpu.memory_space<vmem>>
      %dma_start3A_710 = tpu.memref_squeeze %dma_start3A_709 : memref<1x128x128xf32, #tpu.memory_space<vmem>> -> memref<128x128xf32, #tpu.memory_space<vmem>>
      %dma_start3A_711 = arith.constant 0 : i32
      %dma_start3A_712 = tpu.memref_slice %arg4[%add3A_705, %dma_start3A_711] : memref<204800x128xf32, #tpu.memory_space<hbm>> -> memref<128x128xf32, #tpu.memory_space<hbm>>
      %dma_start3A_713 = arith.constant 0 : i32
      %dma_start3A_714 = tpu.memref_slice %arg4[%add3A_705, %dma_start3A_713] : memref<204800x128xf32, #tpu.memory_space<hbm>> -> memref<128x128xf32, #tpu.memory_space<hbm>>
      %dma_start3A_715 = arith.constant 0 : i32
      %dma_start3A_716 = arith.constant 0 : i32
      %dma_start3A_717 = tpu.memref_slice %arg6[%dma_start3A_706, %dma_start3A_715, %dma_start3A_716] : memref<6x128x128xf32, #tpu.memory_space<vmem>> -> memref<1x128x128xf32, #tpu.memory_space<vmem>>
      %dma_start3A_718 = tpu.memref_squeeze %dma_start3A_717 : memref<1x128x128xf32, #tpu.memory_space<vmem>> -> memref<128x128xf32, #tpu.memory_space<vmem>>
      tpu.enqueue_dma source(%dma_start3A_718 : memref<128x128xf32, #tpu.memory_space<vmem>>) target(%dma_start3A_714 : memref<128x128xf32, #tpu.memory_space<hbm>>) target_semaphore(%arg14 : memref<!tpu.dma_semaphore, #tpu.memory_space<semaphore_mem>>)
    }
    %scan3A_115 = arith.constant 7 : i32
    %dma_wait3A_116 = arith.constant 0 : i32
    %dma_wait3A_117 = arith.constant 0 : i32
    %dma_wait3A_118 = arith.constant 0 : i32
    %dma_wait3A_119 = tpu.memref_slice %arg6[%dma_wait3A_116, %dma_wait3A_117, %dma_wait3A_118] : memref<6x128x128xf32, #tpu.memory_space<vmem>> -> memref<1x128x128xf32, #tpu.memory_space<vmem>>
    %dma_wait3A_120 = tpu.memref_squeeze %dma_wait3A_119 : memref<1x128x128xf32, #tpu.memory_space<vmem>> -> memref<128x128xf32, #tpu.memory_space<vmem>>
    %dma_wait3A_121 = arith.constant 0 : i32
    %dma_wait3A_122 = tpu.memref_slice %arg4[%mul3A_2, %dma_wait3A_121] : memref<204800x128xf32, #tpu.memory_space<hbm>> -> memref<128x128xf32, #tpu.memory_space<hbm>>
    %dma_wait3A_123 = arith.constant 0 : i32
    %dma_wait3A_124 = tpu.memref_slice %arg4[%mul3A_2, %dma_wait3A_123] : memref<204800x128xf32, #tpu.memory_space<hbm>> -> memref<128x128xf32, #tpu.memory_space<hbm>>
    %dma_wait3A_125 = arith.constant 0 : i32
    %dma_wait3A_126 = arith.constant 0 : i32
    %dma_wait3A_127 = tpu.memref_slice %arg6[%dma_wait3A_116, %dma_wait3A_125, %dma_wait3A_126] : memref<6x128x128xf32, #tpu.memory_space<vmem>> -> memref<1x128x128xf32, #tpu.memory_space<vmem>>
    %dma_wait3A_128 = tpu.memref_squeeze %dma_wait3A_127 : memref<1x128x128xf32, #tpu.memory_space<vmem>> -> memref<128x128xf32, #tpu.memory_space<vmem>>
    tpu.wait_dma2 semaphore(%arg13 : memref<!tpu.dma_semaphore, #tpu.memory_space<semaphore_mem>>) src(%dma_wait3A_128 : memref<128x128xf32, #tpu.memory_space<vmem>>) dst(%dma_wait3A_124 : memref<128x128xf32, #tpu.memory_space<hbm>>)
    %dma_start3A_129 = arith.constant 0 : i32
    %dma_start3A_130 = arith.constant 0 : i32
    %dma_start3A_131 = arith.constant 0 : i32
    %dma_start3A_132 = tpu.memref_slice %arg6[%dma_start3A_129, %dma_start3A_130, %dma_start3A_131] : memref<6x128x128xf32, #tpu.memory_space<vmem>> -> memref<1x128x128xf32, #tpu.memory_space<vmem>>
    %dma_start3A_133 = tpu.memref_squeeze %dma_start3A_132 : memref<1x128x128xf32, #tpu.memory_space<vmem>> -> memref<128x128xf32, #tpu.memory_space<vmem>>
    %dma_start3A_134 = arith.constant 6144 : i32
    %dma_start3A_135 = tpu.memref_slice %arg5[%dma_start3A_134] : memref<6400xi32, #tpu.memory_space<vmem>> -> memref<128xi32, #tpu.memory_space<vmem>>
    %dma_start3A_136 = arith.constant 0 : i32
    %dma_start3A_137 = arith.constant 0 : i32
    %dma_start3A_138 = tpu.memref_slice %arg2[%dma_start3A_136, %dma_start3A_137] : memref<100000x128xf32, #tpu.memory_space<hbm>> -> memref<100000x128xf32, #tpu.memory_space<hbm>>
    tpu.enqueue_indirect_dma source(%dma_start3A_138 : memref<100000x128xf32, #tpu.memory_space<hbm>>) target(%dma_start3A_133 : memref<128x128xf32, #tpu.memory_space<vmem>>) offsets(%dma_start3A_135 : memref<128xi32, #tpu.memory_space<vmem>>) semaphore(%arg7 : memref<!tpu.dma_semaphore, #tpu.memory_space<semaphore_mem>>)
    %dma_wait3A_139 = arith.constant 2 : i32
    %dma_wait3A_140 = arith.constant 0 : i32
    %dma_wait3A_141 = arith.constant 0 : i32
    %dma_wait3A_142 = tpu.memref_slice %arg6[%dma_wait3A_139, %dma_wait3A_140, %dma_wait3A_141] : memref<6x128x128xf32, #tpu.memory_space<vmem>> -> memref<1x128x128xf32, #tpu.memory_space<vmem>>
    %dma_wait3A_143 = tpu.memref_squeeze %dma_wait3A_142 : memref<1x128x128xf32, #tpu.memory_space<vmem>> -> memref<128x128xf32, #tpu.memory_space<vmem>>
    %dma_wait3A_144 = arith.constant 0 : i32
    %dma_wait3A_145 = tpu.memref_slice %arg5[%dma_wait3A_144] : memref<6400xi32, #tpu.memory_space<vmem>> -> memref<128xi32, #tpu.memory_space<vmem>>
    %dma_wait3A_146 = arith.constant 0 : i32
    %dma_wait3A_147 = arith.constant 0 : i32
    %dma_wait3A_148 = tpu.memref_slice %arg2[%dma_wait3A_146, %dma_wait3A_147] : memref<100000x128xf32, #tpu.memory_space<hbm>> -> memref<100000x128xf32, #tpu.memory_space<hbm>>
    tpu.wait_indirect_dma semaphore(%arg9 : memref<!tpu.dma_semaphore, #tpu.memory_space<semaphore_mem>>) src(%dma_wait3A_148 : memref<100000x128xf32, #tpu.memory_space<hbm>>) dst(%dma_wait3A_143 : memref<128x128xf32, #tpu.memory_space<vmem>>)
    %add3A_149 = arith.constant 5632 : i32
    %add3A_150 = arith.addi %mul3A_2, %add3A_149 : i32
    %dma_start3A_151 = arith.constant 2 : i32
    %dma_start3A_152 = arith.constant 0 : i32
    %dma_start3A_153 = arith.constant 0 : i32
    %dma_start3A_154 = tpu.memref_slice %arg6[%dma_start3A_151, %dma_start3A_152, %dma_start3A_153] : memref<6x128x128xf32, #tpu.memory_space<vmem>> -> memref<1x128x128xf32, #tpu.memory_space<vmem>>
    %dma_start3A_155 = tpu.memref_squeeze %dma_start3A_154 : memref<1x128x128xf32, #tpu.memory_space<vmem>> -> memref<128x128xf32, #tpu.memory_space<vmem>>
    %dma_start3A_156 = arith.constant 0 : i32
    %dma_start3A_157 = tpu.memref_slice %arg4[%add3A_150, %dma_start3A_156] : memref<204800x128xf32, #tpu.memory_space<hbm>> -> memref<128x128xf32, #tpu.memory_space<hbm>>
    %dma_start3A_158 = arith.constant 0 : i32
    %dma_start3A_159 = tpu.memref_slice %arg4[%add3A_150, %dma_start3A_158] : memref<204800x128xf32, #tpu.memory_space<hbm>> -> memref<128x128xf32, #tpu.memory_space<hbm>>
    %dma_start3A_160 = arith.constant 0 : i32
    %dma_start3A_161 = arith.constant 0 : i32
    %dma_start3A_162 = tpu.memref_slice %arg6[%dma_start3A_151, %dma_start3A_160, %dma_start3A_161] : memref<6x128x128xf32, #tpu.memory_space<vmem>> -> memref<1x128x128xf32, #tpu.memory_space<vmem>>
    %dma_start3A_163 = tpu.memref_squeeze %dma_start3A_162 : memref<1x128x128xf32, #tpu.memory_space<vmem>> -> memref<128x128xf32, #tpu.memory_space<vmem>>
    tpu.enqueue_dma source(%dma_start3A_163 : memref<128x128xf32, #tpu.memory_space<vmem>>) target(%dma_start3A_159 : memref<128x128xf32, #tpu.memory_space<hbm>>) target_semaphore(%arg15 : memref<!tpu.dma_semaphore, #tpu.memory_space<semaphore_mem>>)
    %dma_wait3A_164 = arith.constant 1 : i32
    %dma_wait3A_165 = arith.constant 0 : i32
    %dma_wait3A_166 = arith.constant 0 : i32
    %dma_wait3A_167 = tpu.memref_slice %arg6[%dma_wait3A_164, %dma_wait3A_165, %dma_wait3A_166] : memref<6x128x128xf32, #tpu.memory_space<vmem>> -> memref<1x128x128xf32, #tpu.memory_space<vmem>>
    %dma_wait3A_168 = tpu.memref_squeeze %dma_wait3A_167 : memref<1x128x128xf32, #tpu.memory_space<vmem>> -> memref<128x128xf32, #tpu.memory_space<vmem>>
    %dma_wait3A_169 = arith.constant 0 : i32
    %dma_wait3A_170 = tpu.memref_slice %arg4[%mul3A_2, %dma_wait3A_169] : memref<204800x128xf32, #tpu.memory_space<hbm>> -> memref<128x128xf32, #tpu.memory_space<hbm>>
    %dma_wait3A_171 = arith.constant 0 : i32
    %dma_wait3A_172 = tpu.memref_slice %arg4[%mul3A_2, %dma_wait3A_171] : memref<204800x128xf32, #tpu.memory_space<hbm>> -> memref<128x128xf32, #tpu.memory_space<hbm>>
    %dma_wait3A_173 = arith.constant 0 : i32
    %dma_wait3A_174 = arith.constant 0 : i32
    %dma_wait3A_175 = tpu.memref_slice %arg6[%dma_wait3A_164, %dma_wait3A_173, %dma_wait3A_174] : memref<6x128x128xf32, #tpu.memory_space<vmem>> -> memref<1x128x128xf32, #tpu.memory_space<vmem>>
    %dma_wait3A_176 = tpu.memref_squeeze %dma_wait3A_175 : memref<1x128x128xf32, #tpu.memory_space<vmem>> -> memref<128x128xf32, #tpu.memory_space<vmem>>
    tpu.wait_dma2 semaphore(%arg14 : memref<!tpu.dma_semaphore, #tpu.memory_space<semaphore_mem>>) src(%dma_wait3A_176 : memref<128x128xf32, #tpu.memory_space<vmem>>) dst(%dma_wait3A_172 : memref<128x128xf32, #tpu.memory_space<hbm>>)
    %dma_start3A_177 = arith.constant 1 : i32
    %dma_start3A_178 = arith.constant 0 : i32
    %dma_start3A_179 = arith.constant 0 : i32
    %dma_start3A_180 = tpu.memref_slice %arg6[%dma_start3A_177, %dma_start3A_178, %dma_start3A_179] : memref<6x128x128xf32, #tpu.memory_space<vmem>> -> memref<1x128x128xf32, #tpu.memory_space<vmem>>
    %dma_start3A_181 = tpu.memref_squeeze %dma_start3A_180 : memref<1x128x128xf32, #tpu.memory_space<vmem>> -> memref<128x128xf32, #tpu.memory_space<vmem>>
    %dma_start3A_182 = arith.constant 6272 : i32
    %dma_start3A_183 = tpu.memref_slice %arg5[%dma_start3A_182] : memref<6400xi32, #tpu.memory_space<vmem>> -> memref<128xi32, #tpu.memory_space<vmem>>
    %dma_start3A_184 = arith.constant 0 : i32
    %dma_start3A_185 = arith.constant 0 : i32
    %dma_start3A_186 = tpu.memref_slice %arg2[%dma_start3A_184, %dma_start3A_185] : memref<100000x128xf32, #tpu.memory_space<hbm>> -> memref<100000x128xf32, #tpu.memory_space<hbm>>
    tpu.enqueue_indirect_dma source(%dma_start3A_186 : memref<100000x128xf32, #tpu.memory_space<hbm>>) target(%dma_start3A_181 : memref<128x128xf32, #tpu.memory_space<vmem>>) offsets(%dma_start3A_183 : memref<128xi32, #tpu.memory_space<vmem>>) semaphore(%arg8 : memref<!tpu.dma_semaphore, #tpu.memory_space<semaphore_mem>>)
    %dma_wait3A_187 = arith.constant 3 : i32
    %dma_wait3A_188 = arith.constant 0 : i32
    %dma_wait3A_189 = arith.constant 0 : i32
    %dma_wait3A_190 = tpu.memref_slice %arg6[%dma_wait3A_187, %dma_wait3A_188, %dma_wait3A_189] : memref<6x128x128xf32, #tpu.memory_space<vmem>> -> memref<1x128x128xf32, #tpu.memory_space<vmem>>
    %dma_wait3A_191 = tpu.memref_squeeze %dma_wait3A_190 : memref<1x128x128xf32, #tpu.memory_space<vmem>> -> memref<128x128xf32, #tpu.memory_space<vmem>>
    %dma_wait3A_192 = arith.constant 0 : i32
    %dma_wait3A_193 = tpu.memref_slice %arg5[%dma_wait3A_192] : memref<6400xi32, #tpu.memory_space<vmem>> -> memref<128xi32, #tpu.memory_space<vmem>>
    %dma_wait3A_194 = arith.constant 0 : i32
    %dma_wait3A_195 = arith.constant 0 : i32
    %dma_wait3A_196 = tpu.memref_slice %arg2[%dma_wait3A_194, %dma_wait3A_195] : memref<100000x128xf32, #tpu.memory_space<hbm>> -> memref<100000x128xf32, #tpu.memory_space<hbm>>
    tpu.wait_indirect_dma semaphore(%arg10 : memref<!tpu.dma_semaphore, #tpu.memory_space<semaphore_mem>>) src(%dma_wait3A_196 : memref<100000x128xf32, #tpu.memory_space<hbm>>) dst(%dma_wait3A_191 : memref<128x128xf32, #tpu.memory_space<vmem>>)
    %add3A_197 = arith.constant 5760 : i32
    %add3A_198 = arith.addi %mul3A_2, %add3A_197 : i32
    %dma_start3A_199 = arith.constant 3 : i32
    %dma_start3A_200 = arith.constant 0 : i32
    %dma_start3A_201 = arith.constant 0 : i32
    %dma_start3A_202 = tpu.memref_slice %arg6[%dma_start3A_199, %dma_start3A_200, %dma_start3A_201] : memref<6x128x128xf32, #tpu.memory_space<vmem>> -> memref<1x128x128xf32, #tpu.memory_space<vmem>>
    %dma_start3A_203 = tpu.memref_squeeze %dma_start3A_202 : memref<1x128x128xf32, #tpu.memory_space<vmem>> -> memref<128x128xf32, #tpu.memory_space<vmem>>
    %dma_start3A_204 = arith.constant 0 : i32
    %dma_start3A_205 = tpu.memref_slice %arg4[%add3A_198, %dma_start3A_204] : memref<204800x128xf32, #tpu.memory_space<hbm>> -> memref<128x128xf32, #tpu.memory_space<hbm>>
    %dma_start3A_206 = arith.constant 0 : i32
    %dma_start3A_207 = tpu.memref_slice %arg4[%add3A_198, %dma_start3A_206] : memref<204800x128xf32, #tpu.memory_space<hbm>> -> memref<128x128xf32, #tpu.memory_space<hbm>>
    %dma_start3A_208 = arith.constant 0 : i32
    %dma_start3A_209 = arith.constant 0 : i32
    %dma_start3A_210 = tpu.memref_slice %arg6[%dma_start3A_199, %dma_start3A_208, %dma_start3A_209] : memref<6x128x128xf32, #tpu.memory_space<vmem>> -> memref<1x128x128xf32, #tpu.memory_space<vmem>>
    %dma_start3A_211 = tpu.memref_squeeze %dma_start3A_210 : memref<1x128x128xf32, #tpu.memory_space<vmem>> -> memref<128x128xf32, #tpu.memory_space<vmem>>
    tpu.enqueue_dma source(%dma_start3A_211 : memref<128x128xf32, #tpu.memory_space<vmem>>) target(%dma_start3A_207 : memref<128x128xf32, #tpu.memory_space<hbm>>) target_semaphore(%arg16 : memref<!tpu.dma_semaphore, #tpu.memory_space<semaphore_mem>>)
    %dma_wait3A_212 = arith.constant 4 : i32
    %dma_wait3A_213 = arith.constant 0 : i32
    %dma_wait3A_214 = arith.constant 0 : i32
    %dma_wait3A_215 = tpu.memref_slice %arg6[%dma_wait3A_212, %dma_wait3A_213, %dma_wait3A_214] : memref<6x128x128xf32, #tpu.memory_space<vmem>> -> memref<1x128x128xf32, #tpu.memory_space<vmem>>
    %dma_wait3A_216 = tpu.memref_squeeze %dma_wait3A_215 : memref<1x128x128xf32, #tpu.memory_space<vmem>> -> memref<128x128xf32, #tpu.memory_space<vmem>>
    %dma_wait3A_217 = arith.constant 0 : i32
    %dma_wait3A_218 = tpu.memref_slice %arg5[%dma_wait3A_217] : memref<6400xi32, #tpu.memory_space<vmem>> -> memref<128xi32, #tpu.memory_space<vmem>>
    %dma_wait3A_219 = arith.constant 0 : i32
    %dma_wait3A_220 = arith.constant 0 : i32
    %dma_wait3A_221 = tpu.memref_slice %arg2[%dma_wait3A_219, %dma_wait3A_220] : memref<100000x128xf32, #tpu.memory_space<hbm>> -> memref<100000x128xf32, #tpu.memory_space<hbm>>
    tpu.wait_indirect_dma semaphore(%arg11 : memref<!tpu.dma_semaphore, #tpu.memory_space<semaphore_mem>>) src(%dma_wait3A_221 : memref<100000x128xf32, #tpu.memory_space<hbm>>) dst(%dma_wait3A_216 : memref<128x128xf32, #tpu.memory_space<vmem>>)
    %add3A_222 = arith.constant 5888 : i32
    %add3A_223 = arith.addi %mul3A_2, %add3A_222 : i32
    %dma_start3A_224 = arith.constant 4 : i32
    %dma_start3A_225 = arith.constant 0 : i32
    %dma_start3A_226 = arith.constant 0 : i32
    %dma_start3A_227 = tpu.memref_slice %arg6[%dma_start3A_224, %dma_start3A_225, %dma_start3A_226] : memref<6x128x128xf32, #tpu.memory_space<vmem>> -> memref<1x128x128xf32, #tpu.memory_space<vmem>>
    %dma_start3A_228 = tpu.memref_squeeze %dma_start3A_227 : memref<1x128x128xf32, #tpu.memory_space<vmem>> -> memref<128x128xf32, #tpu.memory_space<vmem>>
    %dma_start3A_229 = arith.constant 0 : i32
    %dma_start3A_230 = tpu.memref_slice %arg4[%add3A_223, %dma_start3A_229] : memref<204800x128xf32, #tpu.memory_space<hbm>> -> memref<128x128xf32, #tpu.memory_space<hbm>>
    %dma_start3A_231 = arith.constant 0 : i32
    %dma_start3A_232 = tpu.memref_slice %arg4[%add3A_223, %dma_start3A_231] : memref<204800x128xf32, #tpu.memory_space<hbm>> -> memref<128x128xf32, #tpu.memory_space<hbm>>
    %dma_start3A_233 = arith.constant 0 : i32
    %dma_start3A_234 = arith.constant 0 : i32
    %dma_start3A_235 = tpu.memref_slice %arg6[%dma_start3A_224, %dma_start3A_233, %dma_start3A_234] : memref<6x128x128xf32, #tpu.memory_space<vmem>> -> memref<1x128x128xf32, #tpu.memory_space<vmem>>
    %dma_start3A_236 = tpu.memref_squeeze %dma_start3A_235 : memref<1x128x128xf32, #tpu.memory_space<vmem>> -> memref<128x128xf32, #tpu.memory_space<vmem>>
    tpu.enqueue_dma source(%dma_start3A_236 : memref<128x128xf32, #tpu.memory_space<vmem>>) target(%dma_start3A_232 : memref<128x128xf32, #tpu.memory_space<hbm>>) target_semaphore(%arg17 : memref<!tpu.dma_semaphore, #tpu.memory_space<semaphore_mem>>)
    %dma_wait3A_237 = arith.constant 5 : i32
    %dma_wait3A_238 = arith.constant 0 : i32
    %dma_wait3A_239 = arith.constant 0 : i32
    %dma_wait3A_240 = tpu.memref_slice %arg6[%dma_wait3A_237, %dma_wait3A_238, %dma_wait3A_239] : memref<6x128x128xf32, #tpu.memory_space<vmem>> -> memref<1x128x128xf32, #tpu.memory_space<vmem>>
    %dma_wait3A_241 = tpu.memref_squeeze %dma_wait3A_240 : memref<1x128x128xf32, #tpu.memory_space<vmem>> -> memref<128x128xf32, #tpu.memory_space<vmem>>
    %dma_wait3A_242 = arith.constant 0 : i32
    %dma_wait3A_243 = tpu.memref_slice %arg5[%dma_wait3A_242] : memref<6400xi32, #tpu.memory_space<vmem>> -> memref<128xi32, #tpu.memory_space<vmem>>
    %dma_wait3A_244 = arith.constant 0 : i32
    %dma_wait3A_245 = arith.constant 0 : i32
    %dma_wait3A_246 = tpu.memref_slice %arg2[%dma_wait3A_244, %dma_wait3A_245] : memref<100000x128xf32, #tpu.memory_space<hbm>> -> memref<100000x128xf32, #tpu.memory_space<hbm>>
    tpu.wait_indirect_dma semaphore(%arg12 : memref<!tpu.dma_semaphore, #tpu.memory_space<semaphore_mem>>) src(%dma_wait3A_246 : memref<100000x128xf32, #tpu.memory_space<hbm>>) dst(%dma_wait3A_241 : memref<128x128xf32, #tpu.memory_space<vmem>>)
    %add3A_247 = arith.constant 6016 : i32
    %add3A_248 = arith.addi %mul3A_2, %add3A_247 : i32
    %dma_start3A_249 = arith.constant 5 : i32
    %dma_start3A_250 = arith.constant 0 : i32
    %dma_start3A_251 = arith.constant 0 : i32
    %dma_start3A_252 = tpu.memref_slice %arg6[%dma_start3A_249, %dma_start3A_250, %dma_start3A_251] : memref<6x128x128xf32, #tpu.memory_space<vmem>> -> memref<1x128x128xf32, #tpu.memory_space<vmem>>
    %dma_start3A_253 = tpu.memref_squeeze %dma_start3A_252 : memref<1x128x128xf32, #tpu.memory_space<vmem>> -> memref<128x128xf32, #tpu.memory_space<vmem>>
    %dma_start3A_254 = arith.constant 0 : i32
    %dma_start3A_255 = tpu.memref_slice %arg4[%add3A_248, %dma_start3A_254] : memref<204800x128xf32, #tpu.memory_space<hbm>> -> memref<128x128xf32, #tpu.memory_space<hbm>>
    %dma_start3A_256 = arith.constant 0 : i32
    %dma_start3A_257 = tpu.memref_slice %arg4[%add3A_248, %dma_start3A_256] : memref<204800x128xf32, #tpu.memory_space<hbm>> -> memref<128x128xf32, #tpu.memory_space<hbm>>
    %dma_start3A_258 = arith.constant 0 : i32
    %dma_start3A_259 = arith.constant 0 : i32
    %dma_start3A_260 = tpu.memref_slice %arg6[%dma_start3A_249, %dma_start3A_258, %dma_start3A_259] : memref<6x128x128xf32, #tpu.memory_space<vmem>> -> memref<1x128x128xf32, #tpu.memory_space<vmem>>
    %dma_start3A_261 = tpu.memref_squeeze %dma_start3A_260 : memref<1x128x128xf32, #tpu.memory_space<vmem>> -> memref<128x128xf32, #tpu.memory_space<vmem>>
    tpu.enqueue_dma source(%dma_start3A_261 : memref<128x128xf32, #tpu.memory_space<vmem>>) target(%dma_start3A_257 : memref<128x128xf32, #tpu.memory_space<hbm>>) target_semaphore(%arg18 : memref<!tpu.dma_semaphore, #tpu.memory_space<semaphore_mem>>)
    %dma_wait3A_262 = arith.constant 0 : i32
    %dma_wait3A_263 = arith.constant 0 : i32
    %dma_wait3A_264 = arith.constant 0 : i32
    %dma_wait3A_265 = tpu.memref_slice %arg6[%dma_wait3A_262, %dma_wait3A_263, %dma_wait3A_264] : memref<6x128x128xf32, #tpu.memory_space<vmem>> -> memref<1x128x128xf32, #tpu.memory_space<vmem>>
    %dma_wait3A_266 = tpu.memref_squeeze %dma_wait3A_265 : memref<1x128x128xf32, #tpu.memory_space<vmem>> -> memref<128x128xf32, #tpu.memory_space<vmem>>
    %dma_wait3A_267 = arith.constant 0 : i32
    %dma_wait3A_268 = tpu.memref_slice %arg5[%dma_wait3A_267] : memref<6400xi32, #tpu.memory_space<vmem>> -> memref<128xi32, #tpu.memory_space<vmem>>
    %dma_wait3A_269 = arith.constant 0 : i32
    %dma_wait3A_270 = arith.constant 0 : i32
    %dma_wait3A_271 = tpu.memref_slice %arg2[%dma_wait3A_269, %dma_wait3A_270] : memref<100000x128xf32, #tpu.memory_space<hbm>> -> memref<100000x128xf32, #tpu.memory_space<hbm>>
    tpu.wait_indirect_dma semaphore(%arg7 : memref<!tpu.dma_semaphore, #tpu.memory_space<semaphore_mem>>) src(%dma_wait3A_271 : memref<100000x128xf32, #tpu.memory_space<hbm>>) dst(%dma_wait3A_266 : memref<128x128xf32, #tpu.memory_space<vmem>>)
    %add3A_272 = arith.constant 6144 : i32
    %add3A_273 = arith.addi %mul3A_2, %add3A_272 : i32
    %dma_start3A_274 = arith.constant 0 : i32
    %dma_start3A_275 = arith.constant 0 : i32
    %dma_start3A_276 = arith.constant 0 : i32
    %dma_start3A_277 = tpu.memref_slice %arg6[%dma_start3A_274, %dma_start3A_275, %dma_start3A_276] : memref<6x128x128xf32, #tpu.memory_space<vmem>> -> memref<1x128x128xf32, #tpu.memory_space<vmem>>
    %dma_start3A_278 = tpu.memref_squeeze %dma_start3A_277 : memref<1x128x128xf32, #tpu.memory_space<vmem>> -> memref<128x128xf32, #tpu.memory_space<vmem>>
    %dma_start3A_279 = arith.constant 0 : i32
    %dma_start3A_280 = tpu.memref_slice %arg4[%add3A_273, %dma_start3A_279] : memref<204800x128xf32, #tpu.memory_space<hbm>> -> memref<128x128xf32, #tpu.memory_space<hbm>>
    %dma_start3A_281 = arith.constant 0 : i32
    %dma_start3A_282 = tpu.memref_slice %arg4[%add3A_273, %dma_start3A_281] : memref<204800x128xf32, #tpu.memory_space<hbm>> -> memref<128x128xf32, #tpu.memory_space<hbm>>
    %dma_start3A_283 = arith.constant 0 : i32
    %dma_start3A_284 = arith.constant 0 : i32
    %dma_start3A_285 = tpu.memref_slice %arg6[%dma_start3A_274, %dma_start3A_283, %dma_start3A_284] : memref<6x128x128xf32, #tpu.memory_space<vmem>> -> memref<1x128x128xf32, #tpu.memory_space<vmem>>
    %dma_start3A_286 = tpu.memref_squeeze %dma_start3A_285 : memref<1x128x128xf32, #tpu.memory_space<vmem>> -> memref<128x128xf32, #tpu.memory_space<vmem>>
    tpu.enqueue_dma source(%dma_start3A_286 : memref<128x128xf32, #tpu.memory_space<vmem>>) target(%dma_start3A_282 : memref<128x128xf32, #tpu.memory_space<hbm>>) target_semaphore(%arg13 : memref<!tpu.dma_semaphore, #tpu.memory_space<semaphore_mem>>)
    %dma_wait3A_287 = arith.constant 1 : i32
    %dma_wait3A_288 = arith.constant 0 : i32
    %dma_wait3A_289 = arith.constant 0 : i32
    %dma_wait3A_290 = tpu.memref_slice %arg6[%dma_wait3A_287, %dma_wait3A_288, %dma_wait3A_289] : memref<6x128x128xf32, #tpu.memory_space<vmem>> -> memref<1x128x128xf32, #tpu.memory_space<vmem>>
    %dma_wait3A_291 = tpu.memref_squeeze %dma_wait3A_290 : memref<1x128x128xf32, #tpu.memory_space<vmem>> -> memref<128x128xf32, #tpu.memory_space<vmem>>
    %dma_wait3A_292 = arith.constant 0 : i32
    %dma_wait3A_293 = tpu.memref_slice %arg5[%dma_wait3A_292] : memref<6400xi32, #tpu.memory_space<vmem>> -> memref<128xi32, #tpu.memory_space<vmem>>
    %dma_wait3A_294 = arith.constant 0 : i32
    %dma_wait3A_295 = arith.constant 0 : i32
    %dma_wait3A_296 = tpu.memref_slice %arg2[%dma_wait3A_294, %dma_wait3A_295] : memref<100000x128xf32, #tpu.memory_space<hbm>> -> memref<100000x128xf32, #tpu.memory_space<hbm>>
    tpu.wait_indirect_dma semaphore(%arg8 : memref<!tpu.dma_semaphore, #tpu.memory_space<semaphore_mem>>) src(%dma_wait3A_296 : memref<100000x128xf32, #tpu.memory_space<hbm>>) dst(%dma_wait3A_291 : memref<128x128xf32, #tpu.memory_space<vmem>>)
    %add3A_297 = arith.constant 6272 : i32
    %add3A_298 = arith.addi %mul3A_2, %add3A_297 : i32
    %dma_start3A_299 = arith.constant 1 : i32
    %dma_start3A_300 = arith.constant 0 : i32
    %dma_start3A_301 = arith.constant 0 : i32
    %dma_start3A_302 = tpu.memref_slice %arg6[%dma_start3A_299, %dma_start3A_300, %dma_start3A_301] : memref<6x128x128xf32, #tpu.memory_space<vmem>> -> memref<1x128x128xf32, #tpu.memory_space<vmem>>
    %dma_start3A_303 = tpu.memref_squeeze %dma_start3A_302 : memref<1x128x128xf32, #tpu.memory_space<vmem>> -> memref<128x128xf32, #tpu.memory_space<vmem>>
    %dma_start3A_304 = arith.constant 0 : i32
    %dma_start3A_305 = tpu.memref_slice %arg4[%add3A_298, %dma_start3A_304] : memref<204800x128xf32, #tpu.memory_space<hbm>> -> memref<128x128xf32, #tpu.memory_space<hbm>>
    %dma_start3A_306 = arith.constant 0 : i32
    %dma_start3A_307 = tpu.memref_slice %arg4[%add3A_298, %dma_start3A_306] : memref<204800x128xf32, #tpu.memory_space<hbm>> -> memref<128x128xf32, #tpu.memory_space<hbm>>
    %dma_start3A_308 = arith.constant 0 : i32
    %dma_start3A_309 = arith.constant 0 : i32
    %dma_start3A_310 = tpu.memref_slice %arg6[%dma_start3A_299, %dma_start3A_308, %dma_start3A_309] : memref<6x128x128xf32, #tpu.memory_space<vmem>> -> memref<1x128x128xf32, #tpu.memory_space<vmem>>
    %dma_start3A_311 = tpu.memref_squeeze %dma_start3A_310 : memref<1x128x128xf32, #tpu.memory_space<vmem>> -> memref<128x128xf32, #tpu.memory_space<vmem>>
    tpu.enqueue_dma source(%dma_start3A_311 : memref<128x128xf32, #tpu.memory_space<vmem>>) target(%dma_start3A_307 : memref<128x128xf32, #tpu.memory_space<hbm>>) target_semaphore(%arg14 : memref<!tpu.dma_semaphore, #tpu.memory_space<semaphore_mem>>)
    %dma_wait3A_312 = arith.constant 2 : i32
    %dma_wait3A_313 = arith.constant 0 : i32
    %dma_wait3A_314 = arith.constant 0 : i32
    %dma_wait3A_315 = tpu.memref_slice %arg6[%dma_wait3A_312, %dma_wait3A_313, %dma_wait3A_314] : memref<6x128x128xf32, #tpu.memory_space<vmem>> -> memref<1x128x128xf32, #tpu.memory_space<vmem>>
    %dma_wait3A_316 = tpu.memref_squeeze %dma_wait3A_315 : memref<1x128x128xf32, #tpu.memory_space<vmem>> -> memref<128x128xf32, #tpu.memory_space<vmem>>
    %dma_wait3A_317 = arith.constant 0 : i32
    %dma_wait3A_318 = tpu.memref_slice %arg4[%mul3A_2, %dma_wait3A_317] : memref<204800x128xf32, #tpu.memory_space<hbm>> -> memref<128x128xf32, #tpu.memory_space<hbm>>
    %dma_wait3A_319 = arith.constant 0 : i32
    %dma_wait3A_320 = tpu.memref_slice %arg4[%mul3A_2, %dma_wait3A_319] : memref<204800x128xf32, #tpu.memory_space<hbm>> -> memref<128x128xf32, #tpu.memory_space<hbm>>
    %dma_wait3A_321 = arith.constant 0 : i32
    %dma_wait3A_322 = arith.constant 0 : i32
    %dma_wait3A_323 = tpu.memref_slice %arg6[%dma_wait3A_312, %dma_wait3A_321, %dma_wait3A_322] : memref<6x128x128xf32, #tpu.memory_space<vmem>> -> memref<1x128x128xf32, #tpu.memory_space<vmem>>
    %dma_wait3A_324 = tpu.memref_squeeze %dma_wait3A_323 : memref<1x128x128xf32, #tpu.memory_space<vmem>> -> memref<128x128xf32, #tpu.memory_space<vmem>>
    tpu.wait_dma2 semaphore(%arg15 : memref<!tpu.dma_semaphore, #tpu.memory_space<semaphore_mem>>) src(%dma_wait3A_324 : memref<128x128xf32, #tpu.memory_space<vmem>>) dst(%dma_wait3A_320 : memref<128x128xf32, #tpu.memory_space<hbm>>)
    %dma_wait3A_325 = arith.constant 3 : i32
    %dma_wait3A_326 = arith.constant 0 : i32
    %dma_wait3A_327 = arith.constant 0 : i32
    %dma_wait3A_328 = tpu.memref_slice %arg6[%dma_wait3A_325, %dma_wait3A_326, %dma_wait3A_327] : memref<6x128x128xf32, #tpu.memory_space<vmem>> -> memref<1x128x128xf32, #tpu.memory_space<vmem>>
    %dma_wait3A_329 = tpu.memref_squeeze %dma_wait3A_328 : memref<1x128x128xf32, #tpu.memory_space<vmem>> -> memref<128x128xf32, #tpu.memory_space<vmem>>
    %dma_wait3A_330 = arith.constant 0 : i32
    %dma_wait3A_331 = tpu.memref_slice %arg4[%mul3A_2, %dma_wait3A_330] : memref<204800x128xf32, #tpu.memory_space<hbm>> -> memref<128x128xf32, #tpu.memory_space<hbm>>
    %dma_wait3A_332 = arith.constant 0 : i32
    %dma_wait3A_333 = tpu.memref_slice %arg4[%mul3A_2, %dma_wait3A_332] : memref<204800x128xf32, #tpu.memory_space<hbm>> -> memref<128x128xf32, #tpu.memory_space<hbm>>
    %dma_wait3A_334 = arith.constant 0 : i32
    %dma_wait3A_335 = arith.constant 0 : i32
    %dma_wait3A_336 = tpu.memref_slice %arg6[%dma_wait3A_325, %dma_wait3A_334, %dma_wait3A_335] : memref<6x128x128xf32, #tpu.memory_space<vmem>> -> memref<1x128x128xf32, #tpu.memory_space<vmem>>
    %dma_wait3A_337 = tpu.memref_squeeze %dma_wait3A_336 : memref<1x128x128xf32, #tpu.memory_space<vmem>> -> memref<128x128xf32, #tpu.memory_space<vmem>>
    tpu.wait_dma2 semaphore(%arg16 : memref<!tpu.dma_semaphore, #tpu.memory_space<semaphore_mem>>) src(%dma_wait3A_337 : memref<128x128xf32, #tpu.memory_space<vmem>>) dst(%dma_wait3A_333 : memref<128x128xf32, #tpu.memory_space<hbm>>)
    %dma_wait3A_338 = arith.constant 4 : i32
    %dma_wait3A_339 = arith.constant 0 : i32
    %dma_wait3A_340 = arith.constant 0 : i32
    %dma_wait3A_341 = tpu.memref_slice %arg6[%dma_wait3A_338, %dma_wait3A_339, %dma_wait3A_340] : memref<6x128x128xf32, #tpu.memory_space<vmem>> -> memref<1x128x128xf32, #tpu.memory_space<vmem>>
    %dma_wait3A_342 = tpu.memref_squeeze %dma_wait3A_341 : memref<1x128x128xf32, #tpu.memory_space<vmem>> -> memref<128x128xf32, #tpu.memory_space<vmem>>
    %dma_wait3A_343 = arith.constant 0 : i32
    %dma_wait3A_344 = tpu.memref_slice %arg4[%mul3A_2, %dma_wait3A_343] : memref<204800x128xf32, #tpu.memory_space<hbm>> -> memref<128x128xf32, #tpu.memory_space<hbm>>
    %dma_wait3A_345 = arith.constant 0 : i32
    %dma_wait3A_346 = tpu.memref_slice %arg4[%mul3A_2, %dma_wait3A_345] : memref<204800x128xf32, #tpu.memory_space<hbm>> -> memref<128x128xf32, #tpu.memory_space<hbm>>
    %dma_wait3A_347 = arith.constant 0 : i32
    %dma_wait3A_348 = arith.constant 0 : i32
    %dma_wait3A_349 = tpu.memref_slice %arg6[%dma_wait3A_338, %dma_wait3A_347, %dma_wait3A_348] : memref<6x128x128xf32, #tpu.memory_space<vmem>> -> memref<1x128x128xf32, #tpu.memory_space<vmem>>
    %dma_wait3A_350 = tpu.memref_squeeze %dma_wait3A_349 : memref<1x128x128xf32, #tpu.memory_space<vmem>> -> memref<128x128xf32, #tpu.memory_space<vmem>>
    tpu.wait_dma2 semaphore(%arg17 : memref<!tpu.dma_semaphore, #tpu.memory_space<semaphore_mem>>) src(%dma_wait3A_350 : memref<128x128xf32, #tpu.memory_space<vmem>>) dst(%dma_wait3A_346 : memref<128x128xf32, #tpu.memory_space<hbm>>)
    %dma_wait3A_351 = arith.constant 5 : i32
    %dma_wait3A_352 = arith.constant 0 : i32
    %dma_wait3A_353 = arith.constant 0 : i32
    %dma_wait3A_354 = tpu.memref_slice %arg6[%dma_wait3A_351, %dma_wait3A_352, %dma_wait3A_353] : memref<6x128x128xf32, #tpu.memory_space<vmem>> -> memref<1x128x128xf32, #tpu.memory_space<vmem>>
    %dma_wait3A_355 = tpu.memref_squeeze %dma_wait3A_354 : memref<1x128x128xf32, #tpu.memory_space<vmem>> -> memref<128x128xf32, #tpu.memory_space<vmem>>
    %dma_wait3A_356 = arith.constant 0 : i32
    %dma_wait3A_357 = tpu.memref_slice %arg4[%mul3A_2, %dma_wait3A_356] : memref<204800x128xf32, #tpu.memory_space<hbm>> -> memref<128x128xf32, #tpu.memory_space<hbm>>
    %dma_wait3A_358 = arith.constant 0 : i32
    %dma_wait3A_359 = tpu.memref_slice %arg4[%mul3A_2, %dma_wait3A_358] : memref<204800x128xf32, #tpu.memory_space<hbm>> -> memref<128x128xf32, #tpu.memory_space<hbm>>
    %dma_wait3A_360 = arith.constant 0 : i32
    %dma_wait3A_361 = arith.constant 0 : i32
    %dma_wait3A_362 = tpu.memref_slice %arg6[%dma_wait3A_351, %dma_wait3A_360, %dma_wait3A_361] : memref<6x128x128xf32, #tpu.memory_space<vmem>> -> memref<1x128x128xf32, #tpu.memory_space<vmem>>
    %dma_wait3A_363 = tpu.memref_squeeze %dma_wait3A_362 : memref<1x128x128xf32, #tpu.memory_space<vmem>> -> memref<128x128xf32, #tpu.memory_space<vmem>>
    tpu.wait_dma2 semaphore(%arg18 : memref<!tpu.dma_semaphore, #tpu.memory_space<semaphore_mem>>) src(%dma_wait3A_363 : memref<128x128xf32, #tpu.memory_space<vmem>>) dst(%dma_wait3A_359 : memref<128x128xf32, #tpu.memory_space<hbm>>)
    %dma_wait3A_364 = arith.constant 0 : i32
    %dma_wait3A_365 = arith.constant 0 : i32
    %dma_wait3A_366 = arith.constant 0 : i32
    %dma_wait3A_367 = tpu.memref_slice %arg6[%dma_wait3A_364, %dma_wait3A_365, %dma_wait3A_366] : memref<6x128x128xf32, #tpu.memory_space<vmem>> -> memref<1x128x128xf32, #tpu.memory_space<vmem>>
    %dma_wait3A_368 = tpu.memref_squeeze %dma_wait3A_367 : memref<1x128x128xf32, #tpu.memory_space<vmem>> -> memref<128x128xf32, #tpu.memory_space<vmem>>
    %dma_wait3A_369 = arith.constant 0 : i32
    %dma_wait3A_370 = tpu.memref_slice %arg4[%mul3A_2, %dma_wait3A_369] : memref<204800x128xf32, #tpu.memory_space<hbm>> -> memref<128x128xf32, #tpu.memory_space<hbm>>
    %dma_wait3A_371 = arith.constant 0 : i32
    %dma_wait3A_372 = tpu.memref_slice %arg4[%mul3A_2, %dma_wait3A_371] : memref<204800x128xf32, #tpu.memory_space<hbm>> -> memref<128x128xf32, #tpu.memory_space<hbm>>
    %dma_wait3A_373 = arith.constant 0 : i32
    %dma_wait3A_374 = arith.constant 0 : i32
    %dma_wait3A_375 = tpu.memref_slice %arg6[%dma_wait3A_364, %dma_wait3A_373, %dma_wait3A_374] : memref<6x128x128xf32, #tpu.memory_space<vmem>> -> memref<1x128x128xf32, #tpu.memory_space<vmem>>
    %dma_wait3A_376 = tpu.memref_squeeze %dma_wait3A_375 : memref<1x128x128xf32, #tpu.memory_space<vmem>> -> memref<128x128xf32, #tpu.memory_space<vmem>>
    tpu.wait_dma2 semaphore(%arg13 : memref<!tpu.dma_semaphore, #tpu.memory_space<semaphore_mem>>) src(%dma_wait3A_376 : memref<128x128xf32, #tpu.memory_space<vmem>>) dst(%dma_wait3A_372 : memref<128x128xf32, #tpu.memory_space<hbm>>)
    %dma_wait3A_377 = arith.constant 1 : i32
    %dma_wait3A_378 = arith.constant 0 : i32
    %dma_wait3A_379 = arith.constant 0 : i32
    %dma_wait3A_380 = tpu.memref_slice %arg6[%dma_wait3A_377, %dma_wait3A_378, %dma_wait3A_379] : memref<6x128x128xf32, #tpu.memory_space<vmem>> -> memref<1x128x128xf32, #tpu.memory_space<vmem>>
    %dma_wait3A_381 = tpu.memref_squeeze %dma_wait3A_380 : memref<1x128x128xf32, #tpu.memory_space<vmem>> -> memref<128x128xf32, #tpu.memory_space<vmem>>
    %dma_wait3A_382 = arith.constant 0 : i32
    %dma_wait3A_383 = tpu.memref_slice %arg4[%mul3A_2, %dma_wait3A_382] : memref<204800x128xf32, #tpu.memory_space<hbm>> -> memref<128x128xf32, #tpu.memory_space<hbm>>
    %dma_wait3A_384 = arith.constant 0 : i32
    %dma_wait3A_385 = tpu.memref_slice %arg4[%mul3A_2, %dma_wait3A_384] : memref<204800x128xf32, #tpu.memory_space<hbm>> -> memref<128x128xf32, #tpu.memory_space<hbm>>
    %dma_wait3A_386 = arith.constant 0 : i32
    %dma_wait3A_387 = arith.constant 0 : i32
    %dma_wait3A_388 = tpu.memref_slice %arg6[%dma_wait3A_377, %dma_wait3A_386, %dma_wait3A_387] : memref<6x128x128xf32, #tpu.memory_space<vmem>> -> memref<1x128x128xf32, #tpu.memory_space<vmem>>
    %dma_wait3A_389 = tpu.memref_squeeze %dma_wait3A_388 : memref<1x128x128xf32, #tpu.memory_space<vmem>> -> memref<128x128xf32, #tpu.memory_space<vmem>>
    tpu.wait_dma2 semaphore(%arg14 : memref<!tpu.dma_semaphore, #tpu.memory_space<semaphore_mem>>) src(%dma_wait3A_389 : memref<128x128xf32, #tpu.memory_space<vmem>>) dst(%dma_wait3A_385 : memref<128x128xf32, #tpu.memory_space<hbm>>)
    return
  }
}

</mosaic_0001>

<sc_bundles>
// kernel: _gather.3.cloned.1.call-start
scs
__scs_entry_jumppad:
0x0: {  	(pc) =	sbr.rel $0x88, $3  }
0x1: {  	(tag) =	ssettag $0x0;
	lr =	simm.s32 $0x1  }
0x2: {  	[smem:$0x3F9F] =	sst lr;
	_ =	strace $0xD0000000  }
0x3: {  	_ = 	snop  }
0x4: {  	_ = 	snop  }
0x5: {  	_ = 	snop  }
0x6: {  	_ = 	snop  }
0x7: {  	_ = 	snop  }
__scs_overlays_trampoline_lowered:
0x8: {  	[smem:$0x3FAE] =	sst s0  }
0x9: {  	[smem:$0x3FAF] =	sst s1  }
0xa: {  	[smem:$0x3FB0] =	sst s2  }
0xb: {  	[smem:$0x3FB1] =	sst s3  }
0xc: {  	[smem:$0x3FB2] =	sst s4  }
0xd: {  	[smem:$0x3FB3] =	sst s5  }
0xe: {  	[smem:$0x3FB4] =	sst s6  }
0xf: {  	[smem:$0x3FB5] =	sst s7  }
0x10: {  	[smem:$0x3FB6] =	sst s8  }
0x11: {  	[smem:$0x3FB7] =	sst s9;
	s0 =	simm.s32 @!p0 $0x0  }
0x12: {  	s1 =	sld [smem:$0x3F9D];
	s0 =	simm.s32 @p0 $0x1  }
0x13: {  	[smem:$0x3FB8] =	sst s0;
	s0 =	simm.s32 @!p1 $0x0  }
0x14: {  	s2 =	sld [smem:$0x3F9C];
	s0 =	simm.s32 @p1 $0x1  }
0x15: {  	[smem:$0x3FB9] =	sst s0;
	s0 =	simm.s32 @!p2 $0x0  }
0x16: {  	s3 =	sld [smem:$0x3FDB];
	s0 =	simm.s32 @p2 $0x1  }
0x17: {  	s4 =	simm.s32 $0x1BF5;
	[smem:$0x3FBB] =	sst s0  }
0x18: {  	s0 =	sld [smem:$0x3F9E];
	_ =	swait.ge [sflag:s4], $0x0  }
0x19: {  	s7 =	sld [smem:$0x3F9F]  }
0x1a: {  	s8 =	sadd.s32 $0xFFFFE003, lr  }
0x1b: {  	s9 =	sadd.s32 $0xFFFFFEF7, lr;
	s5 =	simm.s32 $0xFFFFFFFF;
	p2 =	slt.u32 s8, $0xFFFFF086  }
0x1c: {  	p1 =	slt.u32 s9, $0xF7A;
	s5 =	simm.s32 @!p2 $0x0  }
0x1d: {  	s5 =	simm.s32 @p1 $0x1;
	p0 =	seq.s32 s7, s2  }
0x1e: {  	s7 =	smul.u32 @!p0 $0xF7A, s2;
	p2 =	seq.s32 @!p0 s5, $0x0  }
0x1f: {  	s9 =	smul.u32 $0xF7A, s1;
	s8 =	simm.s32 @!p0 $0x1BF5;
	p2 =	por !p2, p0  }
0x20: {  	[sflag:s8] =	ssyncset.s32 @!p0 $0xFFFFF086;
	s6 =	sadd.s32 @!p0 s3, s7;
	s7 =	simm.s32 @!p0 $0x108  }
0x21: {  	s3 =	sadd.s32 s3, s9;
	s6 =	sadd.s32 @!p0 $0x88, s6;
	s7 =	simm.s32 @p2 $0x1082  }
0x22: {  	[simem:s7], [sflag:s8] =	dma.local @!p0 [hbm:s6], $0xF7A  }
0x23: {  	s9 =	sor.u32 $0xD0000000, s2;
	s6 =	simm.s32 $0x108;
	_ =	swait.ge @!p0 [sflag:s8], $0x0  }
0x24: {  	s3 =	sadd.s32 $0x88, s3;
	s6 =	simm.s32 @!p1 $0x1082;
	[sflag:s4] =	ssyncset.s32 $0xFFFFF086  }
0x25: {  	[simem:s6], [sflag:s4] =	dma.local [hbm:s3], $0xF7A  }
0x26: {  	[smem:$0x3F9F] =	sst s1;
	(tag) =	ssettag s2;
	_ =	strace s9  }
0x27: {  	s1 =	sld [smem:$0x3FAF]  }
0x28: {  	s2 =	sld [smem:$0x3FB0]  }
0x29: {  	s4 =	sld [smem:$0x3FB2]  }
0x2a: {  	p0 =	seq.s32 s5, $0x0;
	s5 =	sld [smem:$0x3FB3]  }
0x2b: {  	s6 =	sld [smem:$0x3FB4]  }
0x2c: {  	s7 =	sld [smem:$0x3FB5]  }
0x2d: {  	s3 =	simm.s32 $0x108;
	s8 =	sld [smem:$0x3FB6]  }
0x2e: {  	s3 =	simm.s32 @!p0 $0x1082;
	s9 =	sld [smem:$0x3FB7]  }
0x2f: {  	lr =	sadd.s32 s0, s3;
	s0 =	sld [smem:$0x3FAE]  }
0x30: {  	s3 =	sld [smem:$0x3FB1]  }
0x31: {  	[smem:$0x3FBA] =	sst s10  }
0x32: {  	s10 =	sld [smem:$0x3FB8];
	_ =	sdelay $0x3  }
0x33: {  	p0 =	seq.s32 s10, $0x1;
	s10 =	sld [smem:$0x3FBA];
	_ =	sdelay $0x3  }
0x34: {  	[smem:$0x3FBA] =	sst s10  }
0x35: {  	s10 =	sld [smem:$0x3FB9];
	_ =	sdelay $0x3  }
0x36: {  	p1 =	seq.s32 s10, $0x1;
	s10 =	sld [smem:$0x3FBA];
	_ =	sdelay $0x3  }
0x37: {  	[smem:$0x3FBA] =	sst s10  }
0x38: {  	s10 =	sld [smem:$0x3FBB]  }
0x39: {  	_ = 	snop;
	(pc) =	sbr.ind lr, $3  }
0x3a: {  	_ = 	snop  }
0x3b: {  	_ = 	snop  }
0x3c: {  	p2 =	seq.s32 s10, $0x1;
	s10 =	sld [smem:$0x3FBA]  }
0x3d: {  	_ =	shalt  }
0x3e: {  	_ =	shalt  }
0x3f: {  	_ =	shalt  }
0x40: {  	_ =	shalt  }
0x41: {  	_ =	shalt  }
0x42: {  	_ =	shalt  }
0x43: {  	_ =	shalt  }
0x44: {  	_ =	shalt  }
0x45: {  	_ =	shalt  }
0x46: {  	_ =	shalt  }
0x47: {  	_ =	shalt  }
0x48: {  	_ =	shalt  }
0x49: {  	_ =	shalt  }
0x4a: {  	_ =	shalt  }
0x4b: {  	_ =	shalt  }
0x4c: {  	_ =	shalt  }
0x4d: {  	_ =	shalt  }
0x4e: {  	_ =	shalt  }
0x4f: {  	_ =	shalt  }
0x50: {  	_ =	shalt  }
0x51: {  	_ =	shalt  }
0x52: {  	_ =	shalt  }
0x53: {  	_ =	shalt  }
0x54: {  	_ =	shalt  }
0x55: {  	_ =	shalt  }
0x56: {  	_ =	shalt  }
0x57: {  	_ =	shalt  }
0x58: {  	_ =	shalt  }
0x59: {  	_ =	shalt  }
0x5a: {  	_ =	shalt  }
0x5b: {  	_ =	shalt  }
0x5c: {  	_ =	shalt  }
0x5d: {  	_ =	shalt  }
0x5e: {  	_ =	shalt  }
0x5f: {  	_ =	shalt  }
0x60: {  	_ =	shalt  }
0x61: {  	_ =	shalt  }
0x62: {  	_ =	shalt  }
0x63: {  	_ =	shalt  }
0x64: {  	_ =	shalt  }
0x65: {  	_ =	shalt  }
0x66: {  	_ =	shalt  }
0x67: {  	_ =	shalt  }
0x68: {  	_ =	shalt  }
0x69: {  	_ =	shalt  }
0x6a: {  	_ =	shalt  }
0x6b: {  	_ =	shalt  }
0x6c: {  	_ =	shalt  }
0x6d: {  	_ =	shalt  }
0x6e: {  	_ =	shalt  }
0x6f: {  	_ =	shalt  }
0x70: {  	_ =	shalt  }
0x71: {  	_ =	shalt  }
0x72: {  	_ =	shalt  }
0x73: {  	_ =	shalt  }
0x74: {  	_ =	shalt  }
0x75: {  	_ =	shalt  }
0x76: {  	_ =	shalt  }
0x77: {  	_ =	shalt  }
0x78: {  	_ =	shalt  }
0x79: {  	_ =	shalt  }
0x7a: {  	_ =	shalt  }
0x7b: {  	_ =	shalt  }
0x7c: {  	_ =	shalt  }
0x7d: {  	_ =	shalt  }
0x7e: {  	_ =	shalt  }
0x7f: {  	_ =	shalt  }
0x80: {  	_ =	shalt  }
0x81: {  	_ =	shalt  }
0x82: {  	_ =	shalt  }
0x83: {  	_ =	shalt  }
0x84: {  	_ =	shalt  }
0x85: {  	_ =	shalt  }
0x86: {  	_ =	shalt  }
0x87: {  	_ =	shalt  }
.Lfunc_end0:
.L_simem_size_0:
called_computation_lowered:
.L_overlay_start_0:
0x88: {  	s2 =	sld [smem:$0x3FD9]  }
0x89: {  	s3 =	sld [smem:$0x3FFE];
	_ =	sdelay $0x1  }
0x8a: {  	s1 =	srdreg.scid  }
0x8b: {  	s0 =	sand.u32 $0x1, s1  }
0x8c: {  	s18 =	sshll.u32 s0, $0xA;
	s2 =	sadd.s32 s3, s2  }
0x8d: {  	s2 =	sadd.s32 s2, s18  }
0x8e: {  	[smem:$0x3FC6] =	sst s2  }
0x8f: {  	_ = 	snop  }
0x90: {  	s2 =	sld [smem:$0x3FC9]  }
0x91: {  	s19 =	sld [smem:$0x3FC8]  }
0x92: {  	s4 =	sld [smem:$0x3FD0];
	(tm) =	ssettm $0x1  }
0x93: {  	s5 =	sld [smem:$0x3FFB];
	_ =	sdelay $0x3  }
0x94: {  	_ =	strace s5  }
0x95: {  	s5 =	sld [smem:$0x3FFC];
	_ =	sdelay $0x3  }
0x96: {  	_ =	strace s5  }
0x97: {  	s5 =	sld [smem:$0x3FFD];
	_ =	sdelay $0x3  }
0x98: {  	_ =	strace s5  }
0x99: {  	_ =	strace $0x8FFFFFFF  }
0x9a: {  	s20 =	sld [smem:$0x3FDB];
	_ =	sdelay $0x1  }
0x9b: {  	s6 =	simm.s32 $_scs_section_size  }
0x9c: {  	s7 =	simm.s32 $_size__tile_overlayer_lowered;
	s8 =	simm.s32 $_tile_overlayer_lowered  }
0x9d: {  	s23 =	simm.s32 $0x1BFF;
	s22 =	sshll.u32 s8, $0x1;
	s5 =	sadd.s32 s6, s20  }
0x9e: {  	s9 =	simm.s32 $0x0;
	s21 =	sshll.u32 s7, $0x1;
	s7 =	sadd.s32 s22, s5  }
0x9f: {  	[timem:s9], [sflag:s23] =	dma.local [hbm:s7], s21  }
0xa0: {  	_ =	swait.ge [sflag:s23], s21  }
0xa1: {  	s6 =	ssub.s32 $0x0, s21;
	[sflag:s23] =	ssyncset.done $0x0  }
0xa2: {  	[sflag:s23] =	ssyncadd.s32 s6;
	_ =	sdelay $0x1  }
0xa3: {  	s24 =	simm.s32 $0x1B8B  }
0xa4: {  	_ =	swait.ge [sflag:s24], $0x1  }
0xa5: {  	[sflag:s24] =	ssyncset.done $0x0  }
0xa6: {  	s25 =	simm.s32 $0x1B8E;
	[sflag:s24] =	ssyncadd.s32 $0xFFFFFFFF  }
0xa7: {  	s26 =	simm.s32 $execute0_lowered;
	[smem:$0x3FD2] =	sst s25  }
0xa8: {  	s6 =	sshll.u32 s26, $0x1;
	_ =	strace $0x80000046;
	[dreg:$0x1] =	wrdreg $0xFFFFFFFF  }
0xa9: {  	s28 =	simm.s32 $_size_execute0_lowered;
	s5 =	sadd.s32 s5, s6;
	[dreg:$0x0] =	wrdreg $0x0  }
0xaa: {  	s6 =	sshll.u32 s28, $0x1;
	[dreg:$0x2] =	wrdreg s5  }
0xab: {  	[dreg:$0x3] =	wrdreg s6  }
0xac: {  	[dreg:$0x4] =	wrdreg $0xC0  }
0xad: {  	_ =	task [dreg:s9], $0x5FFFF  }
0xae: {  	[dreg:$0x1] =	wrdreg $0xFFFFFFFF  }
0xaf: {  	[dreg:$0x0] =	wrdreg $0x60  }
0xb0: {  	[dreg:$0x2] =	wrdreg s2  }
0xb1: {  	[dreg:$0x3] =	wrdreg s19  }
0xb2: {  	[dreg:$0x4] =	wrdreg s4  }
0xb3: {  	[dreg:$0x5] =	wrdreg $0x9  }
0xb4: {  	_ =	task.clear_ibuf [dreg:s9], $0x6FFFF;
	_ =	strace $0x90000046  }
0xb5: {  	s29 =	simm.s32 $0x9;
	_ =	strace $0x80000048  }
0xb6: {  	_ =	swait.ge [sflag:s29], $0x1  }
0xb7: {  	[sflag:s29] =	ssyncadd.s32 $0xFFFFFFFF  }
0xb8: {  	_ =	strace $0x90000048  }
0xb9: {  	_ =	sfence  }
0xba: {  	s30 =	sld [smem:$0x0];
	_ =	sdelay $0x2  }
0xbb: {  	s31 =	sshll.u32 s1, $0xD;
	s1 =	sshrl.u32 s1, $0x2  }
0xbc: {  	s3 =	sand.u32 $0x4000, s31;
	s1 =	sadd.s32 s1, s30  }
0xbd: {  	s0 =	sor.u32 s3, s0;
	s1 =	sshll.u32 s1, $0x11  }
0xbe: {  	s0 =	sor.u32 s1, s0  }
0xbf: {  	s0 =	sadd.s32 $0x8F2B, s0  }
0xc0: {  	[sflag:s0] =	ssyncadd.remote.s32 $0x1  }
0xc1: {  	_ =	sfence.sel $0xFFFF  }
0xc2: {  	[dreg:$0x0] =	wrdreg $0xFFFFFFFF;
	(pc) =	sbr.abs _section_cstart, $3  }
0xc3: {  	[dreg:$0x1] =	wrdreg $0xFFFFFFFF  }
0xc4: {  	_ =	task.clear_ibuf [dreg:s9], $0x2FFFF;
	_ =	strace $0x9FFFFFFF  }
0xc5: {  	(tm) =	ssettm $0x7FFFFFFF  }
tec
execute0_lowered:
.L_overlay_start_1:
0x0: {  	(tag) =	ssettag $0x1  }
0x1: {  	s1 =	rddreg [dreg:$0x0]  }
0x2: {  	s0 =	rddreg [dreg:$0x1];
	s2 =	srdreg.scid  }
0x3: {  	s10 =	stileid.u32;
	s4 =	rddreg [dreg:$0x2];
	s3 =	simm.s32 $0x0  }
0x4: {  	s15 =	simm.s32 $0xD;
	s16 =	simm.s32 $0x80;
	s17 =	simm.s32 $0x1900  }
0x5: {  	s18 =	simm.s32 $0x5900;
	s20 =	simm.s32 $0x9900;
	s28 =	simm.s32 $0x15900  }
0x6: {  	s29 =	simm.s32 $0x2;
	s2 =	sand.u32 $0x1, s2;
	s5 =	sshll.u32 s10, $0x1  }
0x7: {  	s30 =	simm.s32 $0x7;
	s22 =	smul.u32 $0x32000, s10;
	s5 =	sor.u32 s2, s5  }
0x8: {  	s31 =	simm.s32 $0x3;
	s19 =	simm.s32 $0x9;
	s6 =	smul.u32 $0x1900, s5  }
0x9: {  	[smem:$0x7FF] =	sst s3;
	s7 =	ssub.s32 $0x2, s2;
	s8 =	smul.u32 $0xC8000, s5  }
0xa: {  	_ =	strace $0x80000047;
	s9 =	sshrl.u32 s7, $0x1;
	s5 =	smul.u32 $0x19000, s5  }
0xb: {  	s2 =	smul.u32 $0x19000, s2;
	s7 =	ssub.s32 s7, s9;
	s6 =	sshrl.u32 s6, $0x3  }
0xc: {  	s21 =	sshrl.u32 s8, $0x3;
	s5 =	sadd.s32 s4, s5;
	s13 =	smax.u32 s7, $0x1  }
0xd: {  	s7 =	simm.s32 $0x0;
	s0 =	sadd.s32 s0, s6;
	[dreg:$0x5] =	wrdreg s5  }
0xe: {  	s5 =	sadd.s32 $0x800, s5;
	s6 =	simm.s32 $0xC;
	[dreg:$0x4] =	wrdreg s0  }
0xf: {  	s0 =	sadd.s32 s4, s21;
	[dreg:$0x6] =	wrdreg s5;
	s4 =	sadd.s32 s22, s4  }
0x10: {  	s22 =	simm.s32 $0xD900;
	s21 =	simm.s32 $0x5;
	s23 =	sadd.s32 $0x16000, s0  }
0x11: {  	s24 =	sadd.s32 $0x16800, s0;
	s25 =	sadd.s32 $0x17000, s0;
	[dreg:$0x7] =	wrdreg s23  }
0x12: {  	s26 =	sadd.s32 $0x17800, s0;
	s11 =	sadd.s32 $0x18000, s0;
	[dreg:$0x8] =	wrdreg s24  }
0x13: {  	s2 =	sadd.s32 s2, s4;
	s12 =	sadd.s32 $0x18800, s0;
	[dreg:$0x9] =	wrdreg s25  }
0x14: {  	s0 =	simm.s32 $0x4;
	s4 =	simm.s32 $0xB;
	[dreg:$0xa] =	wrdreg s26  }
0x15: {  	s14 =	sadd.s32 $0x2000, s2;
	s24 =	simm.s32 $0x11900;
	s25 =	simm.s32 $0x1  }
0x16: {  	s2 =	simm.s32 $0x8;
	s23 =	simm.s32 $0xA;
	s26 =	simm.s32 $0x6  }
.LBB2_1:
0x17: {  	s5 =	rddreg [dreg:$0x4]  }
0x18: {  	[tilespmem:s3], [sflag:$0xD] =	stream.linear.gather [hbm4b:s5+s3], $0x1900, $0x38;
	[tilespmem:$0x19900] =	vst v63  }
0x19: {  	_ =	swait.ge [sflag:s15], $0x1900  }
0x1a: {  	[sflag:s15] =	ssyncset.done $0x0  }
0x1b: {  	[sflag:s15] =	ssyncadd.s32 $0xFFFFE700  }
0x1c: {  	[tilespmem:s17], [sflag:$0x1] =	stream.indirect.gather [hbm4b:s1+s16], $0x80, s3, s16, $0xb8;
	[tilespmem:$0x19900] =	vst v63  }
0x1d: {  	_ = 	snop  }
0x1e: {  	[tilespmem:s18], [sflag:$0x2] =	stream.indirect.gather [hbm4b:s1+s16], $0x80, s16, s16, $0xb8;
	[tilespmem:$0x19900] =	vst v63  }
0x1f: {  	s8 =	simm.s32 $0x100  }
0x20: {  	[tilespmem:s20], [sflag:$0x3] =	stream.indirect.gather [hbm4b:s1+s16], $0x80, s8, s16, $0xb8;
	[tilespmem:$0x19900] =	vst v63  }
0x21: {  	s9 =	simm.s32 $0x180  }
0x22: {  	[tilespmem:s22], [sflag:$0x4] =	stream.indirect.gather [hbm4b:s1+s16], $0x80, s9, s16, $0xb8;
	[tilespmem:$0x19900] =	vst v63  }
0x23: {  	s10 =	simm.s32 $0x200  }
0x24: {  	[tilespmem:s24], [sflag:$0x5] =	stream.indirect.gather [hbm4b:s1+s16], $0x80, s10, s16, $0xb8;
	[tilespmem:$0x19900] =	vst v63  }
0x25: {  	_ =	swait.ge [sflag:s25], $0x4000  }
0x26: {  	[sflag:s25] =	ssyncset.done $0x0  }
0x27: {  	s8 =	rddreg [dreg:$0x5];
	[sflag:s25] =	ssyncadd.s32 $0xFFFFC000  }
0x28: {  	[hbm4b:s8+s3] =	stream.linear.scatter [tilespmem:s17], [sflag:$0x7], $0x4000, $0x38;
	[tilespmem:$0x19900] =	vst v63  }
0x29: {  	s9 =	simm.s32 $0x280  }
0x2a: {  	[tilespmem:s28], [sflag:$0x6] =	stream.indirect.gather [hbm4b:s1+s16], $0x80, s9, s16, $0xb8;
	[tilespmem:$0x19900] =	vst v63  }
0x2b: {  	_ =	swait.ge [sflag:s29], $0x4000  }
0x2c: {  	[sflag:s29] =	ssyncset.done $0x0  }
0x2d: {  	s10 =	rddreg [dreg:$0x6];
	[sflag:s29] =	ssyncadd.s32 $0xFFFFC000  }
0x2e: {  	[hbm4b:s10+s3] =	stream.linear.scatter [tilespmem:s18], [sflag:$0x8], $0x4000, $0x38;
	[tilespmem:$0x19900] =	vst v63  }
0x2f: {  	_ =	swait.ge [sflag:s30], $0x4000  }
0x30: {  	[sflag:s30] =	ssyncset.done $0x0  }
0x31: {  	s8 =	simm.s32 $0x300;
	[sflag:s30] =	ssyncadd.s32 $0xFFFFC000  }
0x32: {  	[tilespmem:s17], [sflag:$0x1] =	stream.indirect.gather [hbm4b:s1+s16], $0x80, s8, s16, $0xb8;
	[tilespmem:$0x19900] =	vst v63  }
0x33: {  	_ =	swait.ge [sflag:s31], $0x4000  }
0x34: {  	[sflag:s31] =	ssyncset.done $0x0  }
0x35: {  	s5 =	sadd.s32 $0xFFFFF000, s14;
	[sflag:s31] =	ssyncadd.s32 $0xFFFFC000  }
0x36: {  	[hbm4b:s5+s3] =	stream.linear.scatter [tilespmem:s20], [sflag:$0x9], $0x4000, $0x38;
	[tilespmem:$0x19900] =	vst v63  }
0x37: {  	_ =	swait.ge [sflag:s2], $0x4000  }
0x38: {  	[sflag:s2] =	ssyncset.done $0x0  }
0x39: {  	s9 =	simm.s32 $0x380;
	[sflag:s2] =	ssyncadd.s32 $0xFFFFC000  }
0x3a: {  	[tilespmem:s18], [sflag:$0x2] =	stream.indirect.gather [hbm4b:s1+s16], $0x80, s9, s16, $0xb8;
	[tilespmem:$0x19900] =	vst v63  }
0x3b: {  	_ =	swait.ge [sflag:s0], $0x4000  }
0x3c: {  	[sflag:s0] =	ssyncset.done $0x0  }
0x3d: {  	s10 =	sadd.s32 $0xFFFFF800, s14;
	[sflag:s0] =	ssyncadd.s32 $0xFFFFC000  }
0x3e: {  	[hbm4b:s10+s3] =	stream.linear.scatter [tilespmem:s22], [sflag:$0xA], $0x4000, $0x38;
	[tilespmem:$0x19900] =	vst v63  }
0x3f: {  	_ =	swait.ge [sflag:s19], $0x4000  }
0x40: {  	[sflag:s19] =	ssyncset.done $0x0  }
0x41: {  	s5 =	simm.s32 $0x400;
	[sflag:s19] =	ssyncadd.s32 $0xFFFFC000  }
0x42: {  	[tilespmem:s20], [sflag:$0x3] =	stream.indirect.gather [hbm4b:s1+s16], $0x80, s5, s16, $0xb8;
	[tilespmem:$0x19900] =	vst v63  }
0x43: {  	_ =	swait.ge [sflag:s21], $0x4000  }
0x44: {  	[sflag:s21] =	ssyncset.done $0x0  }
0x45: {  	[sflag:s21] =	ssyncadd.s32 $0xFFFFC000  }
0x46: {  	[hbm4b:s14+s3] =	stream.linear.scatter [tilespmem:s24], [sflag:$0xB], $0x4000, $0x38;
	[tilespmem:$0x19900] =	vst v63  }
0x47: {  	_ =	swait.ge [sflag:s23], $0x4000  }
0x48: {  	[sflag:s23] =	ssyncset.done $0x0  }
0x49: {  	s9 =	simm.s32 $0x480;
	[sflag:s23] =	ssyncadd.s32 $0xFFFFC000  }
0x4a: {  	[tilespmem:s22], [sflag:$0x4] =	stream.indirect.gather [hbm4b:s1+s16], $0x80, s9, s16, $0xb8;
	[tilespmem:$0x19900] =	vst v63  }
0x4b: {  	_ =	swait.ge [sflag:s26], $0x4000  }
0x4c: {  	[sflag:s26] =	ssyncset.done $0x0  }
0x4d: {  	s10 =	sadd.s32 $0x800, s14;
	[sflag:s26] =	ssyncadd.s32 $0xFFFFC000  }
0x4e: {  	[hbm4b:s10+s3] =	stream.linear.scatter [tilespmem:s28], [sflag:$0xC], $0x4000, $0x38;
	[tilespmem:$0x19900] =	vst v63  }
0x4f: {  	_ =	swait.ge [sflag:s4], $0x4000  }
0x50: {  	[sflag:s4] =	ssyncset.done $0x0  }
0x51: {  	s5 =	simm.s32 $0x500;
	[sflag:s4] =	ssyncadd.s32 $0xFFFFC000  }
0x52: {  	[tilespmem:s24], [sflag:$0x5] =	stream.indirect.gather [hbm4b:s1+s16], $0x80, s5, s16, $0xb8;
	[tilespmem:$0x19900] =	vst v63  }
0x53: {  	_ =	swait.ge [sflag:s25], $0x4000  }
0x54: {  	[sflag:s25] =	ssyncset.done $0x0  }
0x55: {  	s9 =	sadd.s32 $0x1000, s14;
	[sflag:s25] =	ssyncadd.s32 $0xFFFFC000  }
0x56: {  	[hbm4b:s9+s3] =	stream.linear.scatter [tilespmem:s17], [sflag:$0x7], $0x4000, $0x38;
	[tilespmem:$0x19900] =	vst v63  }
0x57: {  	_ =	swait.ge [sflag:s6], $0x4000  }
0x58: {  	[sflag:s6] =	ssyncset.done $0x0  }
0x59: {  	s10 =	simm.s32 $0x580;
	[sflag:s6] =	ssyncadd.s32 $0xFFFFC000  }
0x5a: {  	[tilespmem:s28], [sflag:$0x6] =	stream.indirect.gather [hbm4b:s1+s16], $0x80, s10, s16, $0xb8;
	[tilespmem:$0x19900] =	vst v63  }
0x5b: {  	_ =	swait.ge [sflag:s29], $0x4000  }
0x5c: {  	s8 =	simm.s32 $0xC00;
	[sflag:s29] =	ssyncset.done $0x0  }
0x5d: {  	s9 =	sadd.s32 $0x3000, s14;
	s10 =	sadd.s32 $0x1800, s14;
	[sflag:s29] =	ssyncadd.s32 $0xFFFFC000  }
.LBB2_2:
0x5e: {  	[hbm4b:s10+s3] =	stream.linear.scatter [tilespmem:s18], [sflag:$0x8], $0x4000, $0x38;
	[tilespmem:$0x19900] =	vst v63  }
0x5f: {  	s10 =	smov.u32 s8  }
0x60: {  	p0 =	sne.s32 s8, $0x4800;
	s8 =	sadd.s32 $0xC00, s8;
	_ =	swait.ge [sflag:s30], $0x4000  }
0x61: {  	s10 =	sshra.s32 s10, $0x2;
	[sflag:s30] =	ssyncset.done $0x0  }
0x62: {  	s5 =	sadd.s32 $0x300, s10;
	[sflag:s30] =	ssyncadd.s32 $0xFFFFC000  }
0x63: {  	[tilespmem:s17], [sflag:$0x1] =	stream.indirect.gather [hbm4b:s1+s16], $0x80, s5, s16, $0xb8;
	[tilespmem:$0x19900] =	vst v63  }
0x64: {  	_ =	swait.ge [sflag:s31], $0x4000  }
0x65: {  	[sflag:s31] =	ssyncset.done $0x0  }
0x66: {  	s5 =	sadd.s32 $0xFFFFF000, s9;
	[sflag:s31] =	ssyncadd.s32 $0xFFFFC000  }
0x67: {  	[hbm4b:s5+s3] =	stream.linear.scatter [tilespmem:s20], [sflag:$0x9], $0x4000, $0x38;
	[tilespmem:$0x19900] =	vst v63  }
0x68: {  	_ =	swait.ge [sflag:s2], $0x4000  }
0x69: {  	[sflag:s2] =	ssyncset.done $0x0  }
0x6a: {  	s5 =	sadd.s32 $0x380, s10;
	[sflag:s2] =	ssyncadd.s32 $0xFFFFC000  }
0x6b: {  	[tilespmem:s18], [sflag:$0x2] =	stream.indirect.gather [hbm4b:s1+s16], $0x80, s5, s16, $0xb8;
	[tilespmem:$0x19900] =	vst v63  }
0x6c: {  	_ =	swait.ge [sflag:s0], $0x4000  }
0x6d: {  	[sflag:s0] =	ssyncset.done $0x0  }
0x6e: {  	s5 =	sadd.s32 $0xFFFFF800, s9;
	[sflag:s0] =	ssyncadd.s32 $0xFFFFC000  }
0x6f: {  	[hbm4b:s5+s3] =	stream.linear.scatter [tilespmem:s22], [sflag:$0xA], $0x4000, $0x38;
	[tilespmem:$0x19900] =	vst v63  }
0x70: {  	_ =	swait.ge [sflag:s19], $0x4000  }
0x71: {  	[sflag:s19] =	ssyncset.done $0x0  }
0x72: {  	s5 =	sadd.s32 $0x400, s10;
	[sflag:s19] =	ssyncadd.s32 $0xFFFFC000  }
0x73: {  	[tilespmem:s20], [sflag:$0x3] =	stream.indirect.gather [hbm4b:s1+s16], $0x80, s5, s16, $0xb8;
	[tilespmem:$0x19900] =	vst v63  }
0x74: {  	_ =	swait.ge [sflag:s21], $0x4000  }
0x75: {  	[sflag:s21] =	ssyncset.done $0x0  }
0x76: {  	[sflag:s21] =	ssyncadd.s32 $0xFFFFC000  }
0x77: {  	[hbm4b:s9+s3] =	stream.linear.scatter [tilespmem:s24], [sflag:$0xB], $0x4000, $0x38;
	[tilespmem:$0x19900] =	vst v63  }
0x78: {  	_ =	swait.ge [sflag:s23], $0x4000  }
0x79: {  	[sflag:s23] =	ssyncset.done $0x0  }
0x7a: {  	s5 =	sadd.s32 $0x480, s10;
	[sflag:s23] =	ssyncadd.s32 $0xFFFFC000  }
0x7b: {  	[tilespmem:s22], [sflag:$0x4] =	stream.indirect.gather [hbm4b:s1+s16], $0x80, s5, s16, $0xb8;
	[tilespmem:$0x19900] =	vst v63  }
0x7c: {  	_ =	swait.ge [sflag:s26], $0x4000  }
0x7d: {  	[sflag:s26] =	ssyncset.done $0x0  }
0x7e: {  	s5 =	sadd.s32 $0x800, s9;
	[sflag:s26] =	ssyncadd.s32 $0xFFFFC000  }
0x7f: {  	[hbm4b:s5+s3] =	stream.linear.scatter [tilespmem:s28], [sflag:$0xC], $0x4000, $0x38;
	[tilespmem:$0x19900] =	vst v63  }
0x80: {  	_ =	swait.ge [sflag:s4], $0x4000  }
0x81: {  	[sflag:s4] =	ssyncset.done $0x0  }
0x82: {  	s5 =	sadd.s32 $0x500, s10;
	[sflag:s4] =	ssyncadd.s32 $0xFFFFC000  }
0x83: {  	[tilespmem:s24], [sflag:$0x5] =	stream.indirect.gather [hbm4b:s1+s16], $0x80, s5, s16, $0xb8;
	[tilespmem:$0x19900] =	vst v63  }
0x84: {  	_ =	swait.ge [sflag:s25], $0x4000  }
0x85: {  	[sflag:s25] =	ssyncset.done $0x0  }
0x86: {  	s5 =	sadd.s32 $0x1000, s9;
	[sflag:s25] =	ssyncadd.s32 $0xFFFFC000  }
0x87: {  	[hbm4b:s5+s3] =	stream.linear.scatter [tilespmem:s17], [sflag:$0x7], $0x4000, $0x38;
	[tilespmem:$0x19900] =	vst v63  }
0x88: {  	_ =	swait.ge [sflag:s6], $0x4000  }
0x89: {  	[sflag:s6] =	ssyncset.done $0x0  }
.Ltmp0:
0x8a: {  	s5 =	sadd.s32 $0x580, s10;
	[sflag:s6] =	ssyncadd.s32 $0xFFFFC000;
	(pc) =	sbr.rel @p0 .LBB2_2-.Ltmp0, $4  }
0x8b: {  	[tilespmem:s28], [sflag:$0x6] =	stream.indirect.gather [hbm4b:s1+s16], $0x80, s5, s16, $0xb8;
	[tilespmem:$0x19900] =	vst v63  }
0x8c: {  	_ =	swait.ge [sflag:s29], $0x4000  }
0x8d: {  	[sflag:s29] =	ssyncset.done $0x0  }
0x8e: {  	s10 =	sadd.s32 $0x1800, s9;
	s9 =	sadd.s32 $0x3000, s9;
	[sflag:s29] =	ssyncadd.s32 $0xFFFFC000  }
0x8f: {  	[hbm4b:s10+s3] =	stream.linear.scatter [tilespmem:s18], [sflag:$0x8], $0x4000, $0x38;
	[tilespmem:$0x19900] =	vst v63  }
0x90: {  	_ =	swait.ge [sflag:s30], $0x4000  }
0x91: {  	[sflag:s30] =	ssyncset.done $0x0  }
0x92: {  	s5 =	simm.s32 $0x1800;
	[sflag:s30] =	ssyncadd.s32 $0xFFFFC000  }
0x93: {  	[tilespmem:s17], [sflag:$0x1] =	stream.indirect.gather [hbm4b:s1+s16], $0x80, s5, s16, $0xb8;
	[tilespmem:$0x19900] =	vst v63  }
0x94: {  	_ =	swait.ge [sflag:s31], $0x4000  }
0x95: {  	[sflag:s31] =	ssyncset.done $0x0  }
0x96: {  	s9 =	rddreg [dreg:$0x7];
	[sflag:s31] =	ssyncadd.s32 $0xFFFFC000  }
0x97: {  	[hbm4b:s9+s3] =	stream.linear.scatter [tilespmem:s20], [sflag:$0x9], $0x4000, $0x38;
	[tilespmem:$0x19900] =	vst v63  }
0x98: {  	_ =	swait.ge [sflag:s2], $0x4000  }
0x99: {  	[sflag:s2] =	ssyncset.done $0x0  }
0x9a: {  	s10 =	simm.s32 $0x1880;
	[sflag:s2] =	ssyncadd.s32 $0xFFFFC000  }
0x9b: {  	[tilespmem:s18], [sflag:$0x2] =	stream.indirect.gather [hbm4b:s1+s16], $0x80, s10, s16, $0xb8;
	[tilespmem:$0x19900] =	vst v63  }
0x9c: {  	_ =	swait.ge [sflag:s0], $0x4000  }
0x9d: {  	[sflag:s0] =	ssyncset.done $0x0  }
0x9e: {  	s8 =	rddreg [dreg:$0x8];
	[sflag:s0] =	ssyncadd.s32 $0xFFFFC000  }
0x9f: {  	[hbm4b:s8+s3] =	stream.linear.scatter [tilespmem:s22], [sflag:$0xA], $0x4000, $0x38;
	[tilespmem:$0x19900] =	vst v63  }
0xa0: {  	_ =	swait.ge [sflag:s21], $0x4000  }
0xa1: {  	[sflag:s21] =	ssyncset.done $0x0  }
0xa2: {  	s9 =	rddreg [dreg:$0x9];
	[sflag:s21] =	ssyncadd.s32 $0xFFFFC000  }
0xa3: {  	[hbm4b:s9+s3] =	stream.linear.scatter [tilespmem:s24], [sflag:$0xB], $0x4000, $0x38;
	[tilespmem:$0x19900] =	vst v63  }
0xa4: {  	_ =	swait.ge [sflag:s26], $0x4000  }
0xa5: {  	[sflag:s26] =	ssyncset.done $0x0  }
0xa6: {  	s10 =	rddreg [dreg:$0xa];
	[sflag:s26] =	ssyncadd.s32 $0xFFFFC000  }
0xa7: {  	[hbm4b:s10+s3] =	stream.linear.scatter [tilespmem:s28], [sflag:$0xC], $0x4000, $0x38;
	[tilespmem:$0x19900] =	vst v63  }
0xa8: {  	_ =	swait.ge [sflag:s25], $0x4000  }
0xa9: {  	[sflag:s25] =	ssyncset.done $0x0  }
0xaa: {  	[sflag:s25] =	ssyncadd.s32 $0xFFFFC000  }
0xab: {  	[hbm4b:s11+s3] =	stream.linear.scatter [tilespmem:s17], [sflag:$0x7], $0x4000, $0x38;
	[tilespmem:$0x19900] =	vst v63  }
0xac: {  	_ =	swait.ge [sflag:s29], $0x4000  }
0xad: {  	[sflag:s29] =	ssyncset.done $0x0  }
0xae: {  	[sflag:s29] =	ssyncadd.s32 $0xFFFFC000  }
0xaf: {  	[hbm4b:s12+s3] =	stream.linear.scatter [tilespmem:s18], [sflag:$0x8], $0x4000, $0x38;
	[tilespmem:$0x19900] =	vst v63  }
0xb0: {  	_ =	swait.ge [sflag:s19], $0x4000  }
0xb1: {  	[sflag:s19] =	ssyncset.done $0x0  }
0xb2: {  	[sflag:s19] =	ssyncadd.s32 $0xFFFFC000  }
0xb3: {  	_ =	swait.ge [sflag:s23], $0x4000  }
0xb4: {  	[sflag:s23] =	ssyncset.done $0x0  }
0xb5: {  	[sflag:s23] =	ssyncadd.s32 $0xFFFFC000  }
0xb6: {  	_ =	swait.ge [sflag:s4], $0x4000  }
0xb7: {  	[sflag:s4] =	ssyncset.done $0x0  }
0xb8: {  	[sflag:s4] =	ssyncadd.s32 $0xFFFFC000  }
0xb9: {  	_ =	swait.ge [sflag:s6], $0x4000  }
0xba: {  	[sflag:s6] =	ssyncset.done $0x0  }
0xbb: {  	s7 =	sadd.s32 $0x1, s7;
	[sflag:s6] =	ssyncadd.s32 $0xFFFFC000  }
0xbc: {  	p0 =	sne.s32 s7, s13;
	_ =	swait.ge [sflag:s30], $0x4000  }
.Ltmp1:
0xbd: {  	[sflag:s30] =	ssyncset.done $0x0;
	(pc) =	sbr.rel @p0 .LBB2_1-.Ltmp1, $4  }
0xbe: {  	[sflag:s30] =	ssyncadd.s32 $0xFFFFC000  }
0xbf: {  	_ =	swait.ge [sflag:s2], $0x4000  }
0xc0: {  	[sflag:s2] =	ssyncset.done $0x0  }
0xc1: {  	[sflag:s2] =	ssyncadd.s32 $0xFFFFC000  }
0xc2: {  	_ =	sfence.sel $0x180000  }
0xc3: {  	[bflag:$0x0] =	sbarrier.arrive $0xFFFF  }
0xc4: {  	_ =	strace $0x90000047  }
0xc5: {  	s0 =	stileid.u32;
	[bflag:$0x2] =	sbarrier.arrive $0xFFFF  }
0xc6: {  	p0 =	sne.s32 s0, $0x0;
	s0 =	rddreg [dreg:$0x3]  }
0xc7: {  	s0 =	sadd.s32 @!p0 $0x100000, s0  }
0xc8: {  	[sflag:s0] =	ssyncadd.tile.s32 @!p0 $0x1;
	_ =	shalt  }
.Lfunc_end2:
_tile_overlayer_lowered:
.L_overlay_start_2:
0xc9: {  	(tag) =	ssettag $0x2  }
0xca: {  	s0 =	rddreg [dreg:$0x0];
	s2 =	stileid.u32  }
0xcb: {  	s1 =	rddreg [dreg:$0x1];
	p0 =	sne.s32 s2, $0x0  }
0xcc: {  	s3 =	rddreg [dreg:$0x2];
	[bflag:$0x3] =	sbarrier.arrive $0xFFFF;
	s2 =	simm.s32 @!p0 $0x1C0D  }
0xcd: {  	[timem:s3], [sflag:s2] =	dma.local @!p0 [hbm:s0], s1  }
0xce: {  	s0 =	simm.s32 @!p0 $0xD  }
0xcf: {  	_ =	swait.ge @!p0 [sflag:s0], s1  }
0xd0: {  	s1 =	ssub.s32 @!p0 $0x0, s1;
	[sflag:s0] =	ssyncset.done @!p0 $0x0  }
0xd1: {  	[sflag:s0] =	ssyncadd.s32 @!p0 s1  }
0xd2: {  	[bflag:$0x3] =	sbarrier.arrive $0xFFFF  }
0xd3: {  	_ =	shalt  }

</sc_bundles>
